<compile_context>
chip_gen: v7x
topology: tpu7x:2x2x1
jax: 0.10.2.dev20260603
libtpu: 0.0.44.dev20260713+nightly
codegen_flags: <defaults>
</compile_context>

<pallas_src>
import functools

import jax
import jax.numpy as jnp
from jax import lax
from jax.experimental import pallas as pl
from jax.experimental.pallas import tpu as pltpu
from jax.experimental.pallas import tpu_sc as plsc

N = 4096
L = 16
NC = 2
NS = 16
NW = NC * NS
GCHUNK = 128


def _sc_partials(nb):
    mesh = plsc.VectorSubcoreMesh(core_axis_name="c", subcore_axis_name="s")

    @functools.partial(
        pl.kernel,
        mesh=mesh,
        out_type=jax.ShapeDtypeStruct((NC, N), jnp.float32),
        scratch_types=[
            pltpu.VMEM((nb, GCHUNK), jnp.int32),
            pltpu.VMEM((nb, GCHUNK), jnp.int32),
            pltpu.VMEM((nb, GCHUNK), jnp.float32),
            pltpu.VMEM((nb, GCHUNK), jnp.int32),
            pltpu.VMEM((nb, GCHUNK), jnp.float32),
            pltpu.VMEM((N // NS,), jnp.float32),
            pltpu.VMEM_SHARED((N,), jnp.float32),
            pltpu.SemaphoreType.DMA,
            pltpu.SemaphoreType.DMA,
            pltpu.SemaphoreType.DMA,
        ],
    )
    def sc_kernel(edges_hbm, data_hbm, out_hbm,
                  row_v, col_v, val_v, idx_v, gat_v,
                  zero_v, acc_sh, sem_in, sem_g, sem_a):
        cid = lax.axis_index("c")
        sid = lax.axis_index("s")
        wid = sid * NC + cid
        pltpu.async_copy(edges_hbm.at[0, wid], row_v, sem_in)
        pltpu.async_copy(edges_hbm.at[1, wid], col_v, sem_in)
        pltpu.async_copy(edges_hbm.at[2, wid].bitcast(jnp.float32), val_v, sem_in)

        zslc = N // NS
        def zero_body(i, _):
            zero_v[pl.ds(i * L, L)] = jnp.zeros((L,), jnp.float32)
            return 0

        lax.fori_loop(0, zslc // L, zero_body, 0)
        pltpu.sync_copy(zero_v, acc_sh.at[pl.ds(sid * zslc, zslc)])

        pltpu.make_async_copy(edges_hbm.at[0, wid], row_v, sem_in).wait()
        pltpu.make_async_copy(edges_hbm.at[1, wid], col_v, sem_in).wait()

        def idx_body(b, _):
            for j in range(GCHUNK // L):
                s = pl.ds(j * L, L)
                idx_v[b, s] = row_v[b, s] * N + col_v[b, s]
            pltpu.async_copy(data_hbm.at[idx_v.at[b]], gat_v.at[b], sem_g)
            return 0

        lax.fori_loop(0, nb, idx_body, 0)

        pltpu.make_async_copy(edges_hbm.at[2, wid].bitcast(jnp.float32), val_v,
                              sem_in).wait()
        plsc.subcore_barrier()

        def prod_body(b, _):
            pltpu.make_async_copy(data_hbm.at[idx_v.at[b]], gat_v.at[b],
                                  sem_g).wait()
            for j in range(GCHUNK // L):
                s = pl.ds(j * L, L)
                gat_v[b, s] = val_v[b, s] * gat_v[b, s]
            pltpu.async_copy(gat_v.at[b], acc_sh.at[row_v.at[b]], sem_a,
                             add=True)
            return 0

        lax.fori_loop(0, nb, prod_body, 0)

        pltpu.make_async_copy(edges_hbm.at[2, wid].bitcast(jnp.float32),
                              gat_v, sem_a).wait()

        plsc.subcore_barrier()

        @pl.when(sid == 0)
        def _():
            pltpu.sync_copy(acc_sh, out_hbm.at[cid])

    return sc_kernel


def _tc_finish(parts_ref, alpha_ref, araw_ref):
    a = jnp.sum(parts_ref[...], axis=0, keepdims=True)
    araw_ref[...] = a
    e = jnp.exp(a - jnp.max(a))
    alpha_ref[...] = e / jnp.sum(e)


def kernel(data_input, adj_indices, adj_values):
    n = data_input.shape[0]
    nnz = adj_values.shape[0]
    ch = -(-nnz // NW)
    nb = -(-ch // GCHUNK)
    tot = NW * nb * GCHUNK
    pad = tot - nnz

    rc = adj_indices.astype(jnp.int32)
    v32 = lax.bitcast_convert_type(adj_values, jnp.int32)[None]
    edges = jnp.pad(jnp.concatenate([rc, v32], axis=0), ((0, 0), (0, pad)))
    edges = edges.reshape(3, NW, nb, GCHUNK)
    data_flat = data_input.reshape(-1)

    partials = _sc_partials(nb)(edges, data_flat)

    alpha2, araw2 = pl.pallas_call(
        _tc_finish,
        out_shape=[
            jax.ShapeDtypeStruct((1, n), jnp.float32),
            jax.ShapeDtypeStruct((1, n), jnp.float32),
        ],
    )(partials)
    return alpha2.reshape(n), araw2.reshape(n)

# --- scband reference (transcript-rebuilt; emitter-appended) ---
"""Pipeline reference for scband-neighbor-aggregator-26431228739590 (READ-ONLY COPY).

The authoritative reference and input builder live on the scoring server;
editing this copy changes nothing except your own understanding.
"""

import jax, jax.numpy as jnp
import numpy as np

N = 4096
NNZ = 167772

def setup_inputs(seed: int = 0) -> dict:
    key = jax.random.key(seed)
    k1, k2, k3 = jax.random.split(key, 3)
    data_input = jax.random.normal(k1, (N, N), dtype=jnp.float32)
    adj_indices = jax.random.randint(k2, (2, NNZ), 0, N, dtype=jnp.int64)
    adj_values = jax.random.uniform(k3, (NNZ,), dtype=jnp.float32)
    return {"data_input": data_input, "adj_indices": adj_indices, "adj_values": adj_values}

def reference(data_input, adj_indices, adj_values):
    # torch: sparse_data_input = adj_matrix * data_input (elementwise at sparse nnz)
    row = adj_indices[0]
    col = adj_indices[1]
    prod = adj_values * data_input[row, col]  # gather at sparse coordinates
    # torch.sparse.sum(sparse_data_input, dim=1).to_dense().flatten()
    A_raw = jax.ops.segment_sum(prod, row, num_segments=data_input.shape[0])
    alpha = jax.nn.softmax(A_raw, axis=0)
    return (alpha, A_raw)

if __name__ == "__main__":
    import jax
    _d = setup_inputs()
    print(jax.jit(kernel)(*tuple(_d.values())))

</pallas_src>

<mosaic_0001>
#map = affine_map<(d0, d1) -> (0, 0, 0, 0)>
#map1 = affine_map<(d0, d1) -> (0)>
#map2 = affine_map<(d0, d1) -> (0, 0)>
module attributes {stable_mosaic.version = 14 : i64} {
  func.func @sc_kernel(%arg0: i32, %arg1: i32, %arg2: memref<3x32x41x128xi32, #tpu.memory_space<hbm>>, %arg3: memref<16777216xf32, #tpu.memory_space<hbm>>, %arg4: memref<2x4096xf32, #tpu.memory_space<hbm>>, %arg5: memref<41x128xi32, #tpu.memory_space<vmem>>, %arg6: memref<41x128xi32, #tpu.memory_space<vmem>>, %arg7: memref<41x128xf32, #tpu.memory_space<vmem>>, %arg8: memref<41x128xi32, #tpu.memory_space<vmem>>, %arg9: memref<41x128xf32, #tpu.memory_space<vmem>>, %arg10: memref<256xf32, #tpu.memory_space<vmem>>, %arg11: memref<4096xf32, #tpu.memory_space<vmem_shared>>, %arg12: memref<!tpu.dma_semaphore, #tpu.memory_space<semaphore_mem>>, %arg13: memref<!tpu.dma_semaphore, #tpu.memory_space<semaphore_mem>>, %arg14: memref<!tpu.dma_semaphore, #tpu.memory_space<semaphore_mem>>) attributes {dimension_semantics = [#tpu.dimension_semantics<core_parallel>, #tpu.dimension_semantics<subcore_parallel>], iteration_bounds = array<i64: 2, 16>, scalar_prefetch = 0 : i64, scratch_operands = 10 : i64, tpu.core_type = #tpu.core_type<sc_vector_subcore>, window_params = [{transform_indices = #map}, {transform_indices = #map1}, {transform_indices = #map2}]} {
    %mul3A = arith.constant 2 : i32
    %mul3A_0 = arith.muli %arg1, %mul3A : i32
    %add3A = arith.addi %mul3A_0, %arg0 : i32
    %dma_start3A = arith.constant 0 : i32
    %dma_start3A_1 = arith.constant 0 : i32
    %dma_start3A_2 = arith.constant 0 : i32
    %dma_start3A_3 = tpu.memref_slice %arg2[%dma_start3A, %add3A, %dma_start3A_1, %dma_start3A_2] : memref<3x32x41x128xi32, #tpu.memory_space<hbm>> -> memref<1x1x41x128xi32, #tpu.memory_space<hbm>>
    %dma_start3A_4 = tpu.memref_squeeze %dma_start3A_3 : memref<1x1x41x128xi32, #tpu.memory_space<hbm>> -> memref<41x128xi32, #tpu.memory_space<hbm>>
    %dma_start3A_5 = arith.constant 0 : i32
    %dma_start3A_6 = arith.constant 0 : i32
    %dma_start3A_7 = tpu.memref_slice %arg2[%dma_start3A, %add3A, %dma_start3A_5, %dma_start3A_6] : memref<3x32x41x128xi32, #tpu.memory_space<hbm>> -> memref<1x1x41x128xi32, #tpu.memory_space<hbm>>
    %dma_start3A_8 = tpu.memref_squeeze %dma_start3A_7 : memref<1x1x41x128xi32, #tpu.memory_space<hbm>> -> memref<41x128xi32, #tpu.memory_space<hbm>>
    tpu.enqueue_dma source(%dma_start3A_8 : memref<41x128xi32, #tpu.memory_space<hbm>>) target(%arg5 : memref<41x128xi32, #tpu.memory_space<vmem>>) target_semaphore(%arg12 : memref<!tpu.dma_semaphore, #tpu.memory_space<semaphore_mem>>)
    %dma_start3A_9 = arith.constant 1 : i32
    %dma_start3A_10 = arith.constant 0 : i32
    %dma_start3A_11 = arith.constant 0 : i32
    %dma_start3A_12 = tpu.memref_slice %arg2[%dma_start3A_9, %add3A, %dma_start3A_10, %dma_start3A_11] : memref<3x32x41x128xi32, #tpu.memory_space<hbm>> -> memref<1x1x41x128xi32, #tpu.memory_space<hbm>>
    %dma_start3A_13 = tpu.memref_squeeze %dma_start3A_12 : memref<1x1x41x128xi32, #tpu.memory_space<hbm>> -> memref<41x128xi32, #tpu.memory_space<hbm>>
    %dma_start3A_14 = arith.constant 0 : i32
    %dma_start3A_15 = arith.constant 0 : i32
    %dma_start3A_16 = tpu.memref_slice %arg2[%dma_start3A_9, %add3A, %dma_start3A_14, %dma_start3A_15] : memref<3x32x41x128xi32, #tpu.memory_space<hbm>> -> memref<1x1x41x128xi32, #tpu.memory_space<hbm>>
    %dma_start3A_17 = tpu.memref_squeeze %dma_start3A_16 : memref<1x1x41x128xi32, #tpu.memory_space<hbm>> -> memref<41x128xi32, #tpu.memory_space<hbm>>
    tpu.enqueue_dma source(%dma_start3A_17 : memref<41x128xi32, #tpu.memory_space<hbm>>) target(%arg6 : memref<41x128xi32, #tpu.memory_space<vmem>>) target_semaphore(%arg12 : memref<!tpu.dma_semaphore, #tpu.memory_space<semaphore_mem>>)
    %dma_start3A_18 = arith.constant 2 : i32
    %dma_start3A_19 = arith.constant 0 : i32
    %dma_start3A_20 = arith.constant 0 : i32
    %dma_start3A_21 = tpu.memref_slice %arg2[%dma_start3A_18, %add3A, %dma_start3A_19, %dma_start3A_20] : memref<3x32x41x128xi32, #tpu.memory_space<hbm>> -> memref<1x1x41x128xi32, #tpu.memory_space<hbm>>
    %dma_start3A_22 = tpu.memref_squeeze %dma_start3A_21 : memref<1x1x41x128xi32, #tpu.memory_space<hbm>> -> memref<41x128xi32, #tpu.memory_space<hbm>>
    %dma_start3A_23 = tpu.memref_bitcast %dma_start3A_22 : memref<41x128xi32, #tpu.memory_space<hbm>> -> memref<41x128xf32, #tpu.memory_space<hbm>>
    %dma_start3A_24 = arith.constant 0 : i32
    %dma_start3A_25 = arith.constant 0 : i32
    %dma_start3A_26 = tpu.memref_slice %arg2[%dma_start3A_18, %add3A, %dma_start3A_24, %dma_start3A_25] : memref<3x32x41x128xi32, #tpu.memory_space<hbm>> -> memref<1x1x41x128xi32, #tpu.memory_space<hbm>>
    %dma_start3A_27 = tpu.memref_squeeze %dma_start3A_26 : memref<1x1x41x128xi32, #tpu.memory_space<hbm>> -> memref<41x128xi32, #tpu.memory_space<hbm>>
    %dma_start3A_28 = tpu.memref_bitcast %dma_start3A_27 : memref<41x128xi32, #tpu.memory_space<hbm>> -> memref<41x128xf32, #tpu.memory_space<hbm>>
    tpu.enqueue_dma source(%dma_start3A_28 : memref<41x128xf32, #tpu.memory_space<hbm>>) target(%arg7 : memref<41x128xf32, #tpu.memory_space<vmem>>) target_semaphore(%arg12 : memref<!tpu.dma_semaphore, #tpu.memory_space<semaphore_mem>>)
    %scan3A = arith.constant 0 : i32
    %scan3A_29 = arith.constant 0 : i32
    %scan3A_30 = arith.constant 16 : i32
    %scan3A_31 = arith.addi %scan3A_29, %scan3A_30 : i32
    %scan3A_32 = arith.constant 1 : i32
    %scan3A_33 = scf.for %scan3A_93 = %scan3A_29 to %scan3A_31 step %scan3A_32 iter_args(%scan3A_94 = %scan3A) -> (i32)  : i32 {
      %broadcast_in_dim3A = arith.constant 0.000000e+00 : f32
      %broadcast_in_dim3A_95 = vector.broadcast %broadcast_in_dim3A : f32 to vector<16xf32>
      %mul3A_96 = arith.constant 16 : i32
      %mul3A_97 = arith.muli %scan3A_93, %mul3A_96 : i32
      %swap3A = arith.index_cast %mul3A_97 : i32 to index
      %swap3A_98 = tpu.vector_load %arg10[%swap3A] {strides = array<i32>} : memref<256xf32, #tpu.memory_space<vmem>>, vector<16xf32>,
      %swap3A_99 = vector.shape_cast %swap3A_98 : vector<16xf32> to vector<16xf32>
      %swap3A_100 = vector.shape_cast %broadcast_in_dim3A_95 : vector<16xf32> to vector<16xf32>
      tpu.vector_store %arg10[%swap3A], %swap3A_100 {strides = array<i32>} : memref<256xf32, #tpu.memory_space<vmem>>, vector<16xf32>,
      %scan3A_101 = arith.constant 0 : i32
      scf.yield %scan3A_101 : i32
    }
    %scan3A_34 = arith.constant 16 : i32
    %mul3A_35 = arith.constant 256 : i32
    %mul3A_36 = arith.muli %arg1, %mul3A_35 : i32
    "tpu.region"() ({
      %run_scoped3A = tpu.sem_alloc : memref<!tpu.dma_semaphore, #tpu.memory_space<semaphore_mem>>
      %dma_start3A_93 = tpu.memref_slice %arg11[%mul3A_36] : memref<4096xf32, #tpu.memory_space<vmem_shared>> -> memref<256xf32, #tpu.memory_space<vmem_shared>>
      %dma_start3A_94 = tpu.memref_slice %arg11[%mul3A_36] : memref<4096xf32, #tpu.memory_space<vmem_shared>> -> memref<256xf32, #tpu.memory_space<vmem_shared>>
      tpu.enqueue_dma source(%arg10 : memref<256xf32, #tpu.memory_space<vmem>>) target(%dma_start3A_94 : memref<256xf32, #tpu.memory_space<vmem_shared>>) target_semaphore(%run_scoped3A : memref<!tpu.dma_semaphore, #tpu.memory_space<semaphore_mem>>)
      %dma_wait3A_95 = tpu.memref_slice %arg11[%mul3A_36] : memref<4096xf32, #tpu.memory_space<vmem_shared>> -> memref<256xf32, #tpu.memory_space<vmem_shared>>
      %dma_wait3A_96 = tpu.memref_slice %arg11[%mul3A_36] : memref<4096xf32, #tpu.memory_space<vmem_shared>> -> memref<256xf32, #tpu.memory_space<vmem_shared>>
      tpu.wait_dma2 semaphore(%run_scoped3A : memref<!tpu.dma_semaphore, #tpu.memory_space<semaphore_mem>>) src(%arg10 : memref<256xf32, #tpu.memory_space<vmem>>) dst(%dma_wait3A_96 : memref<256xf32, #tpu.memory_space<vmem_shared>>)
      tpu.yield
    }) : () -> ()
    %dma_wait3A = arith.constant 0 : i32
    %dma_wait3A_37 = arith.constant 0 : i32
    %dma_wait3A_38 = arith.constant 0 : i32
    %dma_wait3A_39 = tpu.memref_slice %arg2[%dma_wait3A, %add3A, %dma_wait3A_37, %dma_wait3A_38] : memref<3x32x41x128xi32, #tpu.memory_space<hbm>> -> memref<1x1x41x128xi32, #tpu.memory_space<hbm>>
    %dma_wait3A_40 = tpu.memref_squeeze %dma_wait3A_39 : memref<1x1x41x128xi32, #tpu.memory_space<hbm>> -> memref<41x128xi32, #tpu.memory_space<hbm>>
    %dma_wait3A_41 = arith.constant 0 : i32
    %dma_wait3A_42 = arith.constant 0 : i32
    %dma_wait3A_43 = tpu.memref_slice %arg2[%dma_wait3A, %add3A, %dma_wait3A_41, %dma_wait3A_42] : memref<3x32x41x128xi32, #tpu.memory_space<hbm>> -> memref<1x1x41x128xi32, #tpu.memory_space<hbm>>
    %dma_wait3A_44 = tpu.memref_squeeze %dma_wait3A_43 : memref<1x1x41x128xi32, #tpu.memory_space<hbm>> -> memref<41x128xi32, #tpu.memory_space<hbm>>
    tpu.wait_dma2 semaphore(%arg12 : memref<!tpu.dma_semaphore, #tpu.memory_space<semaphore_mem>>) src(%dma_wait3A_44 : memref<41x128xi32, #tpu.memory_space<hbm>>) dst(%arg5 : memref<41x128xi32, #tpu.memory_space<vmem>>)
    %dma_wait3A_45 = arith.constant 1 : i32
    %dma_wait3A_46 = arith.constant 0 : i32
    %dma_wait3A_47 = arith.constant 0 : i32
    %dma_wait3A_48 = tpu.memref_slice %arg2[%dma_wait3A_45, %add3A, %dma_wait3A_46, %dma_wait3A_47] : memref<3x32x41x128xi32, #tpu.memory_space<hbm>> -> memref<1x1x41x128xi32, #tpu.memory_space<hbm>>
    %dma_wait3A_49 = tpu.memref_squeeze %dma_wait3A_48 : memref<1x1x41x128xi32, #tpu.memory_space<hbm>> -> memref<41x128xi32, #tpu.memory_space<hbm>>
    %dma_wait3A_50 = arith.constant 0 : i32
    %dma_wait3A_51 = arith.constant 0 : i32
    %dma_wait3A_52 = tpu.memref_slice %arg2[%dma_wait3A_45, %add3A, %dma_wait3A_50, %dma_wait3A_51] : memref<3x32x41x128xi32, #tpu.memory_space<hbm>> -> memref<1x1x41x128xi32, #tpu.memory_space<hbm>>
    %dma_wait3A_53 = tpu.memref_squeeze %dma_wait3A_52 : memref<1x1x41x128xi32, #tpu.memory_space<hbm>> -> memref<41x128xi32, #tpu.memory_space<hbm>>
    tpu.wait_dma2 semaphore(%arg12 : memref<!tpu.dma_semaphore, #tpu.memory_space<semaphore_mem>>) src(%dma_wait3A_53 : memref<41x128xi32, #tpu.memory_space<hbm>>) dst(%arg6 : memref<41x128xi32, #tpu.memory_space<vmem>>)
    %scan3A_54 = arith.constant 0 : i32
    %scan3A_55 = arith.constant 0 : i32
    %scan3A_56 = arith.constant 41 : i32
    %scan3A_57 = arith.addi %scan3A_55, %scan3A_56 : i32
    %scan3A_58 = arith.constant 1 : i32
    %scan3A_59 = scf.for %scan3A_93 = %scan3A_55 to %scan3A_57 step %scan3A_58 iter_args(%scan3A_94 = %scan3A_54) -> (i32)  : i32 {
      %get3A = arith.index_cast %scan3A_93 : i32 to index
      %get3A_95 = arith.constant 0 : index
      %get3A_96 = tpu.vector_load %arg5[%get3A, %get3A_95] {strides = array<i32>} : memref<41x128xi32, #tpu.memory_space<vmem>>, vector<1x16xi32>,
      %get3A_97 = vector.shape_cast %get3A_96 : vector<1x16xi32> to vector<16xi32>
      %mul3A_98 = arith.constant 4096 : i32
      %mul3A_99 = vector.broadcast %mul3A_98 : i32 to vector<16xi32>
      %mul3A_100 = arith.muli %get3A_97, %mul3A_99 : vector<16xi32>
      %get3A_101 = arith.index_cast %scan3A_93 : i32 to index
      %get3A_102 = arith.constant 0 : index
      %get3A_103 = tpu.vector_load %arg6[%get3A_101, %get3A_102] {strides = array<i32>} : memref<41x128xi32, #tpu.memory_space<vmem>>, vector<1x16xi32>,
      %get3A_104 = vector.shape_cast %get3A_103 : vector<1x16xi32> to vector<16xi32>
      %add3A_105 = arith.addi %mul3A_100, %get3A_104 : vector<16xi32>
      %swap3A = arith.index_cast %scan3A_93 : i32 to index
      %swap3A_106 = arith.constant 0 : index
      %swap3A_107 = tpu.vector_load %arg8[%swap3A, %swap3A_106] {strides = array<i32>} : memref<41x128xi32, #tpu.memory_space<vmem>>, vector<1x16xi32>,
      %swap3A_108 = vector.shape_cast %swap3A_107 : vector<1x16xi32> to vector<16xi32>
      %swap3A_109 = vector.shape_cast %add3A_105 : vector<16xi32> to vector<1x16xi32>
      tpu.vector_store %arg8[%swap3A, %swap3A_106], %swap3A_109 {strides = array<i32>} : memref<41x128xi32, #tpu.memory_space<vmem>>, vector<1x16xi32>,
      %get3A_110 = arith.index_cast %scan3A_93 : i32 to index
      %get3A_111 = arith.constant 16 : index
      %get3A_112 = tpu.vector_load %arg5[%get3A_110, %get3A_111] {strides = array<i32>} : memref<41x128xi32, #tpu.memory_space<vmem>>, vector<1x16xi32>,
      %get3A_113 = vector.shape_cast %get3A_112 : vector<1x16xi32> to vector<16xi32>
      %mul3A_114 = arith.constant 4096 : i32
      %mul3A_115 = vector.broadcast %mul3A_114 : i32 to vector<16xi32>
      %mul3A_116 = arith.muli %get3A_113, %mul3A_115 : vector<16xi32>
      %get3A_117 = arith.index_cast %scan3A_93 : i32 to index
      %get3A_118 = arith.constant 16 : index
      %get3A_119 = tpu.vector_load %arg6[%get3A_117, %get3A_118] {strides = array<i32>} : memref<41x128xi32, #tpu.memory_space<vmem>>, vector<1x16xi32>,
      %get3A_120 = vector.shape_cast %get3A_119 : vector<1x16xi32> to vector<16xi32>
      %add3A_121 = arith.addi %mul3A_116, %get3A_120 : vector<16xi32>
      %swap3A_122 = arith.index_cast %scan3A_93 : i32 to index
      %swap3A_123 = arith.constant 16 : index
      %swap3A_124 = tpu.vector_load %arg8[%swap3A_122, %swap3A_123] {strides = array<i32>} : memref<41x128xi32, #tpu.memory_space<vmem>>, vector<1x16xi32>,
      %swap3A_125 = vector.shape_cast %swap3A_124 : vector<1x16xi32> to vector<16xi32>
      %swap3A_126 = vector.shape_cast %add3A_121 : vector<16xi32> to vector<1x16xi32>
      tpu.vector_store %arg8[%swap3A_122, %swap3A_123], %swap3A_126 {strides = array<i32>} : memref<41x128xi32, #tpu.memory_space<vmem>>, vector<1x16xi32>,
      %get3A_127 = arith.index_cast %scan3A_93 : i32 to index
      %get3A_128 = arith.constant 32 : index
      %get3A_129 = tpu.vector_load %arg5[%get3A_127, %get3A_128] {strides = array<i32>} : memref<41x128xi32, #tpu.memory_space<vmem>>, vector<1x16xi32>,
      %get3A_130 = vector.shape_cast %get3A_129 : vector<1x16xi32> to vector<16xi32>
      %mul3A_131 = arith.constant 4096 : i32
      %mul3A_132 = vector.broadcast %mul3A_131 : i32 to vector<16xi32>
      %mul3A_133 = arith.muli %get3A_130, %mul3A_132 : vector<16xi32>
      %get3A_134 = arith.index_cast %scan3A_93 : i32 to index
      %get3A_135 = arith.constant 32 : index
      %get3A_136 = tpu.vector_load %arg6[%get3A_134, %get3A_135] {strides = array<i32>} : memref<41x128xi32, #tpu.memory_space<vmem>>, vector<1x16xi32>,
      %get3A_137 = vector.shape_cast %get3A_136 : vector<1x16xi32> to vector<16xi32>
      %add3A_138 = arith.addi %mul3A_133, %get3A_137 : vector<16xi32>
      %swap3A_139 = arith.index_cast %scan3A_93 : i32 to index
      %swap3A_140 = arith.constant 32 : index
      %swap3A_141 = tpu.vector_load %arg8[%swap3A_139, %swap3A_140] {strides = array<i32>} : memref<41x128xi32, #tpu.memory_space<vmem>>, vector<1x16xi32>,
      %swap3A_142 = vector.shape_cast %swap3A_141 : vector<1x16xi32> to vector<16xi32>
      %swap3A_143 = vector.shape_cast %add3A_138 : vector<16xi32> to vector<1x16xi32>
      tpu.vector_store %arg8[%swap3A_139, %swap3A_140], %swap3A_143 {strides = array<i32>} : memref<41x128xi32, #tpu.memory_space<vmem>>, vector<1x16xi32>,
      %get3A_144 = arith.index_cast %scan3A_93 : i32 to index
      %get3A_145 = arith.constant 48 : index
      %get3A_146 = tpu.vector_load %arg5[%get3A_144, %get3A_145] {strides = array<i32>} : memref<41x128xi32, #tpu.memory_space<vmem>>, vector<1x16xi32>,
      %get3A_147 = vector.shape_cast %get3A_146 : vector<1x16xi32> to vector<16xi32>
      %mul3A_148 = arith.constant 4096 : i32
      %mul3A_149 = vector.broadcast %mul3A_148 : i32 to vector<16xi32>
      %mul3A_150 = arith.muli %get3A_147, %mul3A_149 : vector<16xi32>
      %get3A_151 = arith.index_cast %scan3A_93 : i32 to index
      %get3A_152 = arith.constant 48 : index
      %get3A_153 = tpu.vector_load %arg6[%get3A_151, %get3A_152] {strides = array<i32>} : memref<41x128xi32, #tpu.memory_space<vmem>>, vector<1x16xi32>,
      %get3A_154 = vector.shape_cast %get3A_153 : vector<1x16xi32> to vector<16xi32>
      %add3A_155 = arith.addi %mul3A_150, %get3A_154 : vector<16xi32>
      %swap3A_156 = arith.index_cast %scan3A_93 : i32 to index
      %swap3A_157 = arith.constant 48 : index
      %swap3A_158 = tpu.vector_load %arg8[%swap3A_156, %swap3A_157] {strides = array<i32>} : memref<41x128xi32, #tpu.memory_space<vmem>>, vector<1x16xi32>,
      %swap3A_159 = vector.shape_cast %swap3A_158 : vector<1x16xi32> to vector<16xi32>
      %swap3A_160 = vector.shape_cast %add3A_155 : vector<16xi32> to vector<1x16xi32>
      tpu.vector_store %arg8[%swap3A_156, %swap3A_157], %swap3A_160 {strides = array<i32>} : memref<41x128xi32, #tpu.memory_space<vmem>>, vector<1x16xi32>,
      %get3A_161 = arith.index_cast %scan3A_93 : i32 to index
      %get3A_162 = arith.constant 64 : index
      %get3A_163 = tpu.vector_load %arg5[%get3A_161, %get3A_162] {strides = array<i32>} : memref<41x128xi32, #tpu.memory_space<vmem>>, vector<1x16xi32>,
      %get3A_164 = vector.shape_cast %get3A_163 : vector<1x16xi32> to vector<16xi32>
      %mul3A_165 = arith.constant 4096 : i32
      %mul3A_166 = vector.broadcast %mul3A_165 : i32 to vector<16xi32>
      %mul3A_167 = arith.muli %get3A_164, %mul3A_166 : vector<16xi32>
      %get3A_168 = arith.index_cast %scan3A_93 : i32 to index
      %get3A_169 = arith.constant 64 : index
      %get3A_170 = tpu.vector_load %arg6[%get3A_168, %get3A_169] {strides = array<i32>} : memref<41x128xi32, #tpu.memory_space<vmem>>, vector<1x16xi32>,
      %get3A_171 = vector.shape_cast %get3A_170 : vector<1x16xi32> to vector<16xi32>
      %add3A_172 = arith.addi %mul3A_167, %get3A_171 : vector<16xi32>
      %swap3A_173 = arith.index_cast %scan3A_93 : i32 to index
      %swap3A_174 = arith.constant 64 : index
      %swap3A_175 = tpu.vector_load %arg8[%swap3A_173, %swap3A_174] {strides = array<i32>} : memref<41x128xi32, #tpu.memory_space<vmem>>, vector<1x16xi32>,
      %swap3A_176 = vector.shape_cast %swap3A_175 : vector<1x16xi32> to vector<16xi32>
      %swap3A_177 = vector.shape_cast %add3A_172 : vector<16xi32> to vector<1x16xi32>
      tpu.vector_store %arg8[%swap3A_173, %swap3A_174], %swap3A_177 {strides = array<i32>} : memref<41x128xi32, #tpu.memory_space<vmem>>, vector<1x16xi32>,
      %get3A_178 = arith.index_cast %scan3A_93 : i32 to index
      %get3A_179 = arith.constant 80 : index
      %get3A_180 = tpu.vector_load %arg5[%get3A_178, %get3A_179] {strides = array<i32>} : memref<41x128xi32, #tpu.memory_space<vmem>>, vector<1x16xi32>,
      %get3A_181 = vector.shape_cast %get3A_180 : vector<1x16xi32> to vector<16xi32>
      %mul3A_182 = arith.constant 4096 : i32
      %mul3A_183 = vector.broadcast %mul3A_182 : i32 to vector<16xi32>
      %mul3A_184 = arith.muli %get3A_181, %mul3A_183 : vector<16xi32>
      %get3A_185 = arith.index_cast %scan3A_93 : i32 to index
      %get3A_186 = arith.constant 80 : index
      %get3A_187 = tpu.vector_load %arg6[%get3A_185, %get3A_186] {strides = array<i32>} : memref<41x128xi32, #tpu.memory_space<vmem>>, vector<1x16xi32>,
      %get3A_188 = vector.shape_cast %get3A_187 : vector<1x16xi32> to vector<16xi32>
      %add3A_189 = arith.addi %mul3A_184, %get3A_188 : vector<16xi32>
      %swap3A_190 = arith.index_cast %scan3A_93 : i32 to index
      %swap3A_191 = arith.constant 80 : index
      %swap3A_192 = tpu.vector_load %arg8[%swap3A_190, %swap3A_191] {strides = array<i32>} : memref<41x128xi32, #tpu.memory_space<vmem>>, vector<1x16xi32>,
      %swap3A_193 = vector.shape_cast %swap3A_192 : vector<1x16xi32> to vector<16xi32>
      %swap3A_194 = vector.shape_cast %add3A_189 : vector<16xi32> to vector<1x16xi32>
      tpu.vector_store %arg8[%swap3A_190, %swap3A_191], %swap3A_194 {strides = array<i32>} : memref<41x128xi32, #tpu.memory_space<vmem>>, vector<1x16xi32>,
      %get3A_195 = arith.index_cast %scan3A_93 : i32 to index
      %get3A_196 = arith.constant 96 : index
      %get3A_197 = tpu.vector_load %arg5[%get3A_195, %get3A_196] {strides = array<i32>} : memref<41x128xi32, #tpu.memory_space<vmem>>, vector<1x16xi32>,
      %get3A_198 = vector.shape_cast %get3A_197 : vector<1x16xi32> to vector<16xi32>
      %mul3A_199 = arith.constant 4096 : i32
      %mul3A_200 = vector.broadcast %mul3A_199 : i32 to vector<16xi32>
      %mul3A_201 = arith.muli %get3A_198, %mul3A_200 : vector<16xi32>
      %get3A_202 = arith.index_cast %scan3A_93 : i32 to index
      %get3A_203 = arith.constant 96 : index
      %get3A_204 = tpu.vector_load %arg6[%get3A_202, %get3A_203] {strides = array<i32>} : memref<41x128xi32, #tpu.memory_space<vmem>>, vector<1x16xi32>,
      %get3A_205 = vector.shape_cast %get3A_204 : vector<1x16xi32> to vector<16xi32>
      %add3A_206 = arith.addi %mul3A_201, %get3A_205 : vector<16xi32>
      %swap3A_207 = arith.index_cast %scan3A_93 : i32 to index
      %swap3A_208 = arith.constant 96 : index
      %swap3A_209 = tpu.vector_load %arg8[%swap3A_207, %swap3A_208] {strides = array<i32>} : memref<41x128xi32, #tpu.memory_space<vmem>>, vector<1x16xi32>,
      %swap3A_210 = vector.shape_cast %swap3A_209 : vector<1x16xi32> to vector<16xi32>
      %swap3A_211 = vector.shape_cast %add3A_206 : vector<16xi32> to vector<1x16xi32>
      tpu.vector_store %arg8[%swap3A_207, %swap3A_208], %swap3A_211 {strides = array<i32>} : memref<41x128xi32, #tpu.memory_space<vmem>>, vector<1x16xi32>,
      %get3A_212 = arith.index_cast %scan3A_93 : i32 to index
      %get3A_213 = arith.constant 112 : index
      %get3A_214 = tpu.vector_load %arg5[%get3A_212, %get3A_213] {strides = array<i32>} : memref<41x128xi32, #tpu.memory_space<vmem>>, vector<1x16xi32>,
      %get3A_215 = vector.shape_cast %get3A_214 : vector<1x16xi32> to vector<16xi32>
      %mul3A_216 = arith.constant 4096 : i32
      %mul3A_217 = vector.broadcast %mul3A_216 : i32 to vector<16xi32>
      %mul3A_218 = arith.muli %get3A_215, %mul3A_217 : vector<16xi32>
      %get3A_219 = arith.index_cast %scan3A_93 : i32 to index
      %get3A_220 = arith.constant 112 : index
      %get3A_221 = tpu.vector_load %arg6[%get3A_219, %get3A_220] {strides = array<i32>} : memref<41x128xi32, #tpu.memory_space<vmem>>, vector<1x16xi32>,
      %get3A_222 = vector.shape_cast %get3A_221 : vector<1x16xi32> to vector<16xi32>
      %add3A_223 = arith.addi %mul3A_218, %get3A_222 : vector<16xi32>
      %swap3A_224 = arith.index_cast %scan3A_93 : i32 to index
      %swap3A_225 = arith.constant 112 : index
      %swap3A_226 = tpu.vector_load %arg8[%swap3A_224, %swap3A_225] {strides = array<i32>} : memref<41x128xi32, #tpu.memory_space<vmem>>, vector<1x16xi32>,
      %swap3A_227 = vector.shape_cast %swap3A_226 : vector<1x16xi32> to vector<16xi32>
      %swap3A_228 = vector.shape_cast %add3A_223 : vector<16xi32> to vector<1x16xi32>
      tpu.vector_store %arg8[%swap3A_224, %swap3A_225], %swap3A_228 {strides = array<i32>} : memref<41x128xi32, #tpu.memory_space<vmem>>, vector<1x16xi32>,
      %dma_start3A_229 = arith.constant 0 : i32
      %dma_start3A_230 = tpu.memref_slice %arg9[%scan3A_93, %dma_start3A_229] : memref<41x128xf32, #tpu.memory_space<vmem>> -> memref<1x128xf32, #tpu.memory_space<vmem>>
      %dma_start3A_231 = tpu.memref_squeeze %dma_start3A_230 : memref<1x128xf32, #tpu.memory_space<vmem>> -> memref<128xf32, #tpu.memory_space<vmem>>
      %dma_start3A_232 = arith.constant 0 : i32
      %dma_start3A_233 = tpu.memref_slice %arg8[%scan3A_93, %dma_start3A_232] : memref<41x128xi32, #tpu.memory_space<vmem>> -> memref<1x128xi32, #tpu.memory_space<vmem>>
      %dma_start3A_234 = tpu.memref_squeeze %dma_start3A_233 : memref<1x128xi32, #tpu.memory_space<vmem>> -> memref<128xi32, #tpu.memory_space<vmem>>
      %dma_start3A_235 = arith.constant 0 : i32
      %dma_start3A_236 = tpu.memref_slice %arg3[%dma_start3A_235] : memref<16777216xf32, #tpu.memory_space<hbm>> -> memref<16777216xf32, #tpu.memory_space<hbm>>
      tpu.enqueue_indirect_dma source(%dma_start3A_236 : memref<16777216xf32, #tpu.memory_space<hbm>>) target(%dma_start3A_231 : memref<128xf32, #tpu.memory_space<vmem>>) offsets(%dma_start3A_234 : memref<128xi32, #tpu.memory_space<vmem>>) semaphore(%arg13 : memref<!tpu.dma_semaphore, #tpu.memory_space<semaphore_mem>>)
      %scan3A_237 = arith.constant 0 : i32
      scf.yield %scan3A_237 : i32
    }
    %scan3A_60 = arith.constant 41 : i32
    %dma_wait3A_61 = arith.constant 2 : i32
    %dma_wait3A_62 = arith.constant 0 : i32
    %dma_wait3A_63 = arith.constant 0 : i32
    %dma_wait3A_64 = tpu.memref_slice %arg2[%dma_wait3A_61, %add3A, %dma_wait3A_62, %dma_wait3A_63] : memref<3x32x41x128xi32, #tpu.memory_space<hbm>> -> memref<1x1x41x128xi32, #tpu.memory_space<hbm>>
    %dma_wait3A_65 = tpu.memref_squeeze %dma_wait3A_64 : memref<1x1x41x128xi32, #tpu.memory_space<hbm>> -> memref<41x128xi32, #tpu.memory_space<hbm>>
    %dma_wait3A_66 = tpu.memref_bitcast %dma_wait3A_65 : memref<41x128xi32, #tpu.memory_space<hbm>> -> memref<41x128xf32, #tpu.memory_space<hbm>>
    %dma_wait3A_67 = arith.constant 0 : i32
    %dma_wait3A_68 = arith.constant 0 : i32
    %dma_wait3A_69 = tpu.memref_slice %arg2[%dma_wait3A_61, %add3A, %dma_wait3A_67, %dma_wait3A_68] : memref<3x32x41x128xi32, #tpu.memory_space<hbm>> -> memref<1x1x41x128xi32, #tpu.memory_space<hbm>>
    %dma_wait3A_70 = tpu.memref_squeeze %dma_wait3A_69 : memref<1x1x41x128xi32, #tpu.memory_space<hbm>> -> memref<41x128xi32, #tpu.memory_space<hbm>>
    %dma_wait3A_71 = tpu.memref_bitcast %dma_wait3A_70 : memref<41x128xi32, #tpu.memory_space<hbm>> -> memref<41x128xf32, #tpu.memory_space<hbm>>
    tpu.wait_dma2 semaphore(%arg12 : memref<!tpu.dma_semaphore, #tpu.memory_space<semaphore_mem>>) src(%dma_wait3A_71 : memref<41x128xf32, #tpu.memory_space<hbm>>) dst(%arg7 : memref<41x128xf32, #tpu.memory_space<vmem>>)
    %barrier3A = arith.constant 0 : index
    tpu.barrier barrier_id(%barrier3A)
    %scan3A_72 = arith.constant 0 : i32
    %scan3A_73 = arith.constant 0 : i32
    %scan3A_74 = arith.constant 41 : i32
    %scan3A_75 = arith.addi %scan3A_73, %scan3A_74 : i32
    %scan3A_76 = arith.constant 1 : i32
    %scan3A_77 = scf.for %scan3A_93 = %scan3A_73 to %scan3A_75 step %scan3A_76 iter_args(%scan3A_94 = %scan3A_72) -> (i32)  : i32 {
      %dma_wait3A_95 = arith.constant 0 : i32
      %dma_wait3A_96 = tpu.memref_slice %arg9[%scan3A_93, %dma_wait3A_95] : memref<41x128xf32, #tpu.memory_space<vmem>> -> memref<1x128xf32, #tpu.memory_space<vmem>>
      %dma_wait3A_97 = tpu.memref_squeeze %dma_wait3A_96 : memref<1x128xf32, #tpu.memory_space<vmem>> -> memref<128xf32, #tpu.memory_space<vmem>>
      %dma_wait3A_98 = arith.constant 0 : i32
      %dma_wait3A_99 = tpu.memref_slice %arg8[%scan3A_93, %dma_wait3A_98] : memref<41x128xi32, #tpu.memory_space<vmem>> -> memref<1x128xi32, #tpu.memory_space<vmem>>
      %dma_wait3A_100 = tpu.memref_squeeze %dma_wait3A_99 : memref<1x128xi32, #tpu.memory_space<vmem>> -> memref<128xi32, #tpu.memory_space<vmem>>
      %dma_wait3A_101 = arith.constant 0 : i32
      %dma_wait3A_102 = tpu.memref_slice %arg3[%dma_wait3A_101] : memref<16777216xf32, #tpu.memory_space<hbm>> -> memref<16777216xf32, #tpu.memory_space<hbm>>
      tpu.wait_indirect_dma semaphore(%arg13 : memref<!tpu.dma_semaphore, #tpu.memory_space<semaphore_mem>>) src(%dma_wait3A_102 : memref<16777216xf32, #tpu.memory_space<hbm>>) dst(%dma_wait3A_97 : memref<128xf32, #tpu.memory_space<vmem>>)
      %get3A = arith.index_cast %scan3A_93 : i32 to index
      %get3A_103 = arith.constant 0 : index
      %get3A_104 = tpu.vector_load %arg7[%get3A, %get3A_103] {strides = array<i32>} : memref<41x128xf32, #tpu.memory_space<vmem>>, vector<1x16xf32>,
      %get3A_105 = vector.shape_cast %get3A_104 : vector<1x16xf32> to vector<16xf32>
      %get3A_106 = arith.index_cast %scan3A_93 : i32 to index
      %get3A_107 = arith.constant 0 : index
      %get3A_108 = tpu.vector_load %arg9[%get3A_106, %get3A_107] {strides = array<i32>} : memref<41x128xf32, #tpu.memory_space<vmem>>, vector<1x16xf32>,
      %get3A_109 = vector.shape_cast %get3A_108 : vector<1x16xf32> to vector<16xf32>
      %mul3A_110 = arith.mulf %get3A_105, %get3A_109 : vector<16xf32>
      %swap3A = arith.index_cast %scan3A_93 : i32 to index
      %swap3A_111 = arith.constant 0 : index
      %swap3A_112 = tpu.vector_load %arg9[%swap3A, %swap3A_111] {strides = array<i32>} : memref<41x128xf32, #tpu.memory_space<vmem>>, vector<1x16xf32>,
      %swap3A_113 = vector.shape_cast %swap3A_112 : vector<1x16xf32> to vector<16xf32>
      %swap3A_114 = vector.shape_cast %mul3A_110 : vector<16xf32> to vector<1x16xf32>
      tpu.vector_store %arg9[%swap3A, %swap3A_111], %swap3A_114 {strides = array<i32>} : memref<41x128xf32, #tpu.memory_space<vmem>>, vector<1x16xf32>,
      %get3A_115 = arith.index_cast %scan3A_93 : i32 to index
      %get3A_116 = arith.constant 16 : index
      %get3A_117 = tpu.vector_load %arg7[%get3A_115, %get3A_116] {strides = array<i32>} : memref<41x128xf32, #tpu.memory_space<vmem>>, vector<1x16xf32>,
      %get3A_118 = vector.shape_cast %get3A_117 : vector<1x16xf32> to vector<16xf32>
      %get3A_119 = arith.index_cast %scan3A_93 : i32 to index
      %get3A_120 = arith.constant 16 : index
      %get3A_121 = tpu.vector_load %arg9[%get3A_119, %get3A_120] {strides = array<i32>} : memref<41x128xf32, #tpu.memory_space<vmem>>, vector<1x16xf32>,
      %get3A_122 = vector.shape_cast %get3A_121 : vector<1x16xf32> to vector<16xf32>
      %mul3A_123 = arith.mulf %get3A_118, %get3A_122 : vector<16xf32>
      %swap3A_124 = arith.index_cast %scan3A_93 : i32 to index
      %swap3A_125 = arith.constant 16 : index
      %swap3A_126 = tpu.vector_load %arg9[%swap3A_124, %swap3A_125] {strides = array<i32>} : memref<41x128xf32, #tpu.memory_space<vmem>>, vector<1x16xf32>,
      %swap3A_127 = vector.shape_cast %swap3A_126 : vector<1x16xf32> to vector<16xf32>
      %swap3A_128 = vector.shape_cast %mul3A_123 : vector<16xf32> to vector<1x16xf32>
      tpu.vector_store %arg9[%swap3A_124, %swap3A_125], %swap3A_128 {strides = array<i32>} : memref<41x128xf32, #tpu.memory_space<vmem>>, vector<1x16xf32>,
      %get3A_129 = arith.index_cast %scan3A_93 : i32 to index
      %get3A_130 = arith.constant 32 : index
      %get3A_131 = tpu.vector_load %arg7[%get3A_129, %get3A_130] {strides = array<i32>} : memref<41x128xf32, #tpu.memory_space<vmem>>, vector<1x16xf32>,
      %get3A_132 = vector.shape_cast %get3A_131 : vector<1x16xf32> to vector<16xf32>
      %get3A_133 = arith.index_cast %scan3A_93 : i32 to index
      %get3A_134 = arith.constant 32 : index
      %get3A_135 = tpu.vector_load %arg9[%get3A_133, %get3A_134] {strides = array<i32>} : memref<41x128xf32, #tpu.memory_space<vmem>>, vector<1x16xf32>,
      %get3A_136 = vector.shape_cast %get3A_135 : vector<1x16xf32> to vector<16xf32>
      %mul3A_137 = arith.mulf %get3A_132, %get3A_136 : vector<16xf32>
      %swap3A_138 = arith.index_cast %scan3A_93 : i32 to index
      %swap3A_139 = arith.constant 32 : index
      %swap3A_140 = tpu.vector_load %arg9[%swap3A_138, %swap3A_139] {strides = array<i32>} : memref<41x128xf32, #tpu.memory_space<vmem>>, vector<1x16xf32>,
      %swap3A_141 = vector.shape_cast %swap3A_140 : vector<1x16xf32> to vector<16xf32>
      %swap3A_142 = vector.shape_cast %mul3A_137 : vector<16xf32> to vector<1x16xf32>
      tpu.vector_store %arg9[%swap3A_138, %swap3A_139], %swap3A_142 {strides = array<i32>} : memref<41x128xf32, #tpu.memory_space<vmem>>, vector<1x16xf32>,
      %get3A_143 = arith.index_cast %scan3A_93 : i32 to index
      %get3A_144 = arith.constant 48 : index
      %get3A_145 = tpu.vector_load %arg7[%get3A_143, %get3A_144] {strides = array<i32>} : memref<41x128xf32, #tpu.memory_space<vmem>>, vector<1x16xf32>,
      %get3A_146 = vector.shape_cast %get3A_145 : vector<1x16xf32> to vector<16xf32>
      %get3A_147 = arith.index_cast %scan3A_93 : i32 to index
      %get3A_148 = arith.constant 48 : index
      %get3A_149 = tpu.vector_load %arg9[%get3A_147, %get3A_148] {strides = array<i32>} : memref<41x128xf32, #tpu.memory_space<vmem>>, vector<1x16xf32>,
      %get3A_150 = vector.shape_cast %get3A_149 : vector<1x16xf32> to vector<16xf32>
      %mul3A_151 = arith.mulf %get3A_146, %get3A_150 : vector<16xf32>
      %swap3A_152 = arith.index_cast %scan3A_93 : i32 to index
      %swap3A_153 = arith.constant 48 : index
      %swap3A_154 = tpu.vector_load %arg9[%swap3A_152, %swap3A_153] {strides = array<i32>} : memref<41x128xf32, #tpu.memory_space<vmem>>, vector<1x16xf32>,
      %swap3A_155 = vector.shape_cast %swap3A_154 : vector<1x16xf32> to vector<16xf32>
      %swap3A_156 = vector.shape_cast %mul3A_151 : vector<16xf32> to vector<1x16xf32>
      tpu.vector_store %arg9[%swap3A_152, %swap3A_153], %swap3A_156 {strides = array<i32>} : memref<41x128xf32, #tpu.memory_space<vmem>>, vector<1x16xf32>,
      %get3A_157 = arith.index_cast %scan3A_93 : i32 to index
      %get3A_158 = arith.constant 64 : index
      %get3A_159 = tpu.vector_load %arg7[%get3A_157, %get3A_158] {strides = array<i32>} : memref<41x128xf32, #tpu.memory_space<vmem>>, vector<1x16xf32>,
      %get3A_160 = vector.shape_cast %get3A_159 : vector<1x16xf32> to vector<16xf32>
      %get3A_161 = arith.index_cast %scan3A_93 : i32 to index
      %get3A_162 = arith.constant 64 : index
      %get3A_163 = tpu.vector_load %arg9[%get3A_161, %get3A_162] {strides = array<i32>} : memref<41x128xf32, #tpu.memory_space<vmem>>, vector<1x16xf32>,
      %get3A_164 = vector.shape_cast %get3A_163 : vector<1x16xf32> to vector<16xf32>
      %mul3A_165 = arith.mulf %get3A_160, %get3A_164 : vector<16xf32>
      %swap3A_166 = arith.index_cast %scan3A_93 : i32 to index
      %swap3A_167 = arith.constant 64 : index
      %swap3A_168 = tpu.vector_load %arg9[%swap3A_166, %swap3A_167] {strides = array<i32>} : memref<41x128xf32, #tpu.memory_space<vmem>>, vector<1x16xf32>,
      %swap3A_169 = vector.shape_cast %swap3A_168 : vector<1x16xf32> to vector<16xf32>
      %swap3A_170 = vector.shape_cast %mul3A_165 : vector<16xf32> to vector<1x16xf32>
      tpu.vector_store %arg9[%swap3A_166, %swap3A_167], %swap3A_170 {strides = array<i32>} : memref<41x128xf32, #tpu.memory_space<vmem>>, vector<1x16xf32>,
      %get3A_171 = arith.index_cast %scan3A_93 : i32 to index
      %get3A_172 = arith.constant 80 : index
      %get3A_173 = tpu.vector_load %arg7[%get3A_171, %get3A_172] {strides = array<i32>} : memref<41x128xf32, #tpu.memory_space<vmem>>, vector<1x16xf32>,
      %get3A_174 = vector.shape_cast %get3A_173 : vector<1x16xf32> to vector<16xf32>
      %get3A_175 = arith.index_cast %scan3A_93 : i32 to index
      %get3A_176 = arith.constant 80 : index
      %get3A_177 = tpu.vector_load %arg9[%get3A_175, %get3A_176] {strides = array<i32>} : memref<41x128xf32, #tpu.memory_space<vmem>>, vector<1x16xf32>,
      %get3A_178 = vector.shape_cast %get3A_177 : vector<1x16xf32> to vector<16xf32>
      %mul3A_179 = arith.mulf %get3A_174, %get3A_178 : vector<16xf32>
      %swap3A_180 = arith.index_cast %scan3A_93 : i32 to index
      %swap3A_181 = arith.constant 80 : index
      %swap3A_182 = tpu.vector_load %arg9[%swap3A_180, %swap3A_181] {strides = array<i32>} : memref<41x128xf32, #tpu.memory_space<vmem>>, vector<1x16xf32>,
      %swap3A_183 = vector.shape_cast %swap3A_182 : vector<1x16xf32> to vector<16xf32>
      %swap3A_184 = vector.shape_cast %mul3A_179 : vector<16xf32> to vector<1x16xf32>
      tpu.vector_store %arg9[%swap3A_180, %swap3A_181], %swap3A_184 {strides = array<i32>} : memref<41x128xf32, #tpu.memory_space<vmem>>, vector<1x16xf32>,
      %get3A_185 = arith.index_cast %scan3A_93 : i32 to index
      %get3A_186 = arith.constant 96 : index
      %get3A_187 = tpu.vector_load %arg7[%get3A_185, %get3A_186] {strides = array<i32>} : memref<41x128xf32, #tpu.memory_space<vmem>>, vector<1x16xf32>,
      %get3A_188 = vector.shape_cast %get3A_187 : vector<1x16xf32> to vector<16xf32>
      %get3A_189 = arith.index_cast %scan3A_93 : i32 to index
      %get3A_190 = arith.constant 96 : index
      %get3A_191 = tpu.vector_load %arg9[%get3A_189, %get3A_190] {strides = array<i32>} : memref<41x128xf32, #tpu.memory_space<vmem>>, vector<1x16xf32>,
      %get3A_192 = vector.shape_cast %get3A_191 : vector<1x16xf32> to vector<16xf32>
      %mul3A_193 = arith.mulf %get3A_188, %get3A_192 : vector<16xf32>
      %swap3A_194 = arith.index_cast %scan3A_93 : i32 to index
      %swap3A_195 = arith.constant 96 : index
      %swap3A_196 = tpu.vector_load %arg9[%swap3A_194, %swap3A_195] {strides = array<i32>} : memref<41x128xf32, #tpu.memory_space<vmem>>, vector<1x16xf32>,
      %swap3A_197 = vector.shape_cast %swap3A_196 : vector<1x16xf32> to vector<16xf32>
      %swap3A_198 = vector.shape_cast %mul3A_193 : vector<16xf32> to vector<1x16xf32>
      tpu.vector_store %arg9[%swap3A_194, %swap3A_195], %swap3A_198 {strides = array<i32>} : memref<41x128xf32, #tpu.memory_space<vmem>>, vector<1x16xf32>,
      %get3A_199 = arith.index_cast %scan3A_93 : i32 to index
      %get3A_200 = arith.constant 112 : index
      %get3A_201 = tpu.vector_load %arg7[%get3A_199, %get3A_200] {strides = array<i32>} : memref<41x128xf32, #tpu.memory_space<vmem>>, vector<1x16xf32>,
      %get3A_202 = vector.shape_cast %get3A_201 : vector<1x16xf32> to vector<16xf32>
      %get3A_203 = arith.index_cast %scan3A_93 : i32 to index
      %get3A_204 = arith.constant 112 : index
      %get3A_205 = tpu.vector_load %arg9[%get3A_203, %get3A_204] {strides = array<i32>} : memref<41x128xf32, #tpu.memory_space<vmem>>, vector<1x16xf32>,
      %get3A_206 = vector.shape_cast %get3A_205 : vector<1x16xf32> to vector<16xf32>
      %mul3A_207 = arith.mulf %get3A_202, %get3A_206 : vector<16xf32>
      %swap3A_208 = arith.index_cast %scan3A_93 : i32 to index
      %swap3A_209 = arith.constant 112 : index
      %swap3A_210 = tpu.vector_load %arg9[%swap3A_208, %swap3A_209] {strides = array<i32>} : memref<41x128xf32, #tpu.memory_space<vmem>>, vector<1x16xf32>,
      %swap3A_211 = vector.shape_cast %swap3A_210 : vector<1x16xf32> to vector<16xf32>
      %swap3A_212 = vector.shape_cast %mul3A_207 : vector<16xf32> to vector<1x16xf32>
      tpu.vector_store %arg9[%swap3A_208, %swap3A_209], %swap3A_212 {strides = array<i32>} : memref<41x128xf32, #tpu.memory_space<vmem>>, vector<1x16xf32>,
      %dma_start3A_213 = arith.constant 0 : i32
      %dma_start3A_214 = tpu.memref_slice %arg9[%scan3A_93, %dma_start3A_213] : memref<41x128xf32, #tpu.memory_space<vmem>> -> memref<1x128xf32, #tpu.memory_space<vmem>>
      %dma_start3A_215 = tpu.memref_squeeze %dma_start3A_214 : memref<1x128xf32, #tpu.memory_space<vmem>> -> memref<128xf32, #tpu.memory_space<vmem>>
      %dma_start3A_216 = arith.constant 0 : i32
      %dma_start3A_217 = tpu.memref_slice %arg5[%scan3A_93, %dma_start3A_216] : memref<41x128xi32, #tpu.memory_space<vmem>> -> memref<1x128xi32, #tpu.memory_space<vmem>>
      %dma_start3A_218 = tpu.memref_squeeze %dma_start3A_217 : memref<1x128xi32, #tpu.memory_space<vmem>> -> memref<128xi32, #tpu.memory_space<vmem>>
      %dma_start3A_219 = arith.constant 0 : i32
      %dma_start3A_220 = tpu.memref_slice %arg11[%dma_start3A_219] : memref<4096xf32, #tpu.memory_space<vmem_shared>> -> memref<4096xf32, #tpu.memory_space<vmem_shared>>
      tpu.enqueue_indirect_dma source(%dma_start3A_215 : memref<128xf32, #tpu.memory_space<vmem>>) target(%dma_start3A_220 : memref<4096xf32, #tpu.memory_space<vmem_shared>>) offsets(%dma_start3A_218 : memref<128xi32, #tpu.memory_space<vmem>>) semaphore(%arg14 : memref<!tpu.dma_semaphore, #tpu.memory_space<semaphore_mem>>) {add = true}
      %scan3A_221 = arith.constant 0 : i32
      scf.yield %scan3A_221 : i32
    }
    %scan3A_78 = arith.constant 41 : i32
    %dma_wait3A_79 = arith.constant 2 : i32
    %dma_wait3A_80 = arith.constant 0 : i32
    %dma_wait3A_81 = arith.constant 0 : i32
    %dma_wait3A_82 = tpu.memref_slice %arg2[%dma_wait3A_79, %add3A, %dma_wait3A_80, %dma_wait3A_81] : memref<3x32x41x128xi32, #tpu.memory_space<hbm>> -> memref<1x1x41x128xi32, #tpu.memory_space<hbm>>
    %dma_wait3A_83 = tpu.memref_squeeze %dma_wait3A_82 : memref<1x1x41x128xi32, #tpu.memory_space<hbm>> -> memref<41x128xi32, #tpu.memory_space<hbm>>
    %dma_wait3A_84 = tpu.memref_bitcast %dma_wait3A_83 : memref<41x128xi32, #tpu.memory_space<hbm>> -> memref<41x128xf32, #tpu.memory_space<hbm>>
    %dma_wait3A_85 = arith.constant 0 : i32
    %dma_wait3A_86 = arith.constant 0 : i32
    %dma_wait3A_87 = tpu.memref_slice %arg2[%dma_wait3A_79, %add3A, %dma_wait3A_85, %dma_wait3A_86] : memref<3x32x41x128xi32, #tpu.memory_space<hbm>> -> memref<1x1x41x128xi32, #tpu.memory_space<hbm>>
    %dma_wait3A_88 = tpu.memref_squeeze %dma_wait3A_87 : memref<1x1x41x128xi32, #tpu.memory_space<hbm>> -> memref<41x128xi32, #tpu.memory_space<hbm>>
    %dma_wait3A_89 = tpu.memref_bitcast %dma_wait3A_88 : memref<41x128xi32, #tpu.memory_space<hbm>> -> memref<41x128xf32, #tpu.memory_space<hbm>>
    tpu.wait_dma2 semaphore(%arg14 : memref<!tpu.dma_semaphore, #tpu.memory_space<semaphore_mem>>) src(%dma_wait3A_89 : memref<41x128xf32, #tpu.memory_space<hbm>>) dst(%arg9 : memref<41x128xf32, #tpu.memory_space<vmem>>)
    %barrier3A_90 = arith.constant 0 : index
    tpu.barrier barrier_id(%barrier3A_90)
    %eq3A = arith.constant 0 : i32
    %eq3A_91 = arith.cmpi eq, %arg1, %eq3A : i32
    %convert_element_type3A = arith.extui %eq3A_91 : i1 to i32
    %cond3A = arith.constant 0 : i32
    %cond3A_92 = arith.cmpi ne, %convert_element_type3A, %cond3A : i32
    scf.if %cond3A_92 {
      "tpu.region"() ({
        %run_scoped3A = tpu.sem_alloc : memref<!tpu.dma_semaphore, #tpu.memory_space<semaphore_mem>>
        %dma_start3A_93 = arith.constant 0 : i32
        %dma_start3A_94 = tpu.memref_slice %arg4[%arg0, %dma_start3A_93] : memref<2x4096xf32, #tpu.memory_space<hbm>> -> memref<1x4096xf32, #tpu.memory_space<hbm>>
        %dma_start3A_95 = tpu.memref_squeeze %dma_start3A_94 : memref<1x4096xf32, #tpu.memory_space<hbm>> -> memref<4096xf32, #tpu.memory_space<hbm>>
        tpu.enqueue_dma source(%arg11 : memref<4096xf32, #tpu.memory_space<vmem_shared>>) target(%dma_start3A_95 : memref<4096xf32, #tpu.memory_space<hbm>>) target_semaphore(%run_scoped3A : memref<!tpu.dma_semaphore, #tpu.memory_space<semaphore_mem>>)
        %dma_wait3A_96 = arith.constant 0 : i32
        %dma_wait3A_97 = tpu.memref_slice %arg4[%arg0, %dma_wait3A_96] : memref<2x4096xf32, #tpu.memory_space<hbm>> -> memref<1x4096xf32, #tpu.memory_space<hbm>>
        %dma_wait3A_98 = tpu.memref_squeeze %dma_wait3A_97 : memref<1x4096xf32, #tpu.memory_space<hbm>> -> memref<4096xf32, #tpu.memory_space<hbm>>
        tpu.wait_dma2 semaphore(%run_scoped3A : memref<!tpu.dma_semaphore, #tpu.memory_space<semaphore_mem>>) src(%arg11 : memref<4096xf32, #tpu.memory_space<vmem_shared>>) dst(%dma_wait3A_98 : memref<4096xf32, #tpu.memory_space<hbm>>)
        tpu.yield
      }) : () -> ()
    } else {
    }
    return
  }
}

module attributes {stable_mosaic.version = 14 : i64} {
  func.func @_tc_finish(%arg0: memref<2x4096xf32, #tpu.memory_space<vmem>>, %arg1: memref<1x4096xf32, #tpu.memory_space<vmem>>, %arg2: memref<1x4096xf32, #tpu.memory_space<vmem>>) attributes {dimension_semantics = [], scalar_prefetch = 0 : i64, scratch_operands = 0 : i64, tpu.core_type = #tpu.core_type<tc>} {
    %get3A = arith.constant 0 : index
    %get3A_0 = arith.constant 0 : index
    %get3A_1 = vector.load %arg0[%get3A, %get3A_0] : memref<2x4096xf32, #tpu.memory_space<vmem>>, vector<2x4096xf32>
    %reduce_sum3A = arith.constant dense<0.000000e+00> : vector<4096xf32>
    %reduce_sum3A_2 = vector.multi_reduction <add>, %get3A_1, %reduce_sum3A [0] : vector<2x4096xf32> to vector<4096xf32>
    %broadcast_in_dim3A = vector.shape_cast %reduce_sum3A_2 : vector<4096xf32> to vector<1x4096xf32>
    %swap3A = arith.constant 0 : index
    %swap3A_3 = arith.constant 0 : index
    %swap3A_4 = vector.load %arg2[%swap3A, %swap3A_3] : memref<1x4096xf32, #tpu.memory_space<vmem>>, vector<1x4096xf32>
    tpu.vector_store %arg2[%swap3A, %swap3A_3], %broadcast_in_dim3A {strides = array<i32>} : memref<1x4096xf32, #tpu.memory_space<vmem>>, vector<1x4096xf32>,
    %reduce_max3A = vector.shape_cast %broadcast_in_dim3A : vector<1x4096xf32> to vector<1x1x4096xf32>
    %reduce_max3A_5 = arith.constant dense<0xFF800000> : vector<1xf32>
    %reduce_max3A_6 = vector.multi_reduction <maximumf>, %reduce_max3A, %reduce_max3A_5 [1, 2] : vector<1x1x4096xf32> to vector<1xf32>
    %reduce_max3A_7 = vector.shape_cast %reduce_max3A_6 : vector<1xf32> to vector<1x1x1xf32>
    %reduce_max3A_8 = vector.extract %reduce_max3A_7[0, 0, 0] : f32 from vector<1x1x1xf32>
    %sub3A = vector.broadcast %reduce_max3A_8 : f32 to vector<1x4096xf32>
    %sub3A_9 = arith.subf %broadcast_in_dim3A, %sub3A : vector<1x4096xf32>
    %exp3A = math.exp %sub3A_9 : vector<1x4096xf32>
    %reduce_sum3A_10 = vector.shape_cast %exp3A : vector<1x4096xf32> to vector<1x1x4096xf32>
    %reduce_sum3A_11 = arith.constant dense<0.000000e+00> : vector<1xf32>
    %reduce_sum3A_12 = vector.multi_reduction <add>, %reduce_sum3A_10, %reduce_sum3A_11 [1, 2] : vector<1x1x4096xf32> to vector<1xf32>
    %reduce_sum3A_13 = vector.shape_cast %reduce_sum3A_12 : vector<1xf32> to vector<1x1x1xf32>
    %reduce_sum3A_14 = vector.extract %reduce_sum3A_13[0, 0, 0] : f32 from vector<1x1x1xf32>
    %div3A = vector.broadcast %reduce_sum3A_14 : f32 to vector<1x4096xf32>
    %div3A_15 = arith.divf %exp3A, %div3A : vector<1x4096xf32>
    %swap3A_16 = arith.constant 0 : index
    %swap3A_17 = arith.constant 0 : index
    %swap3A_18 = vector.load %arg1[%swap3A_16, %swap3A_17] : memref<1x4096xf32, #tpu.memory_space<vmem>>, vector<1x4096xf32>
    tpu.vector_store %arg1[%swap3A_16, %swap3A_17], %div3A_15 {strides = array<i32>} : memref<1x4096xf32, #tpu.memory_space<vmem>>, vector<1x4096xf32>,
    return
  }
}

</mosaic_0001>

<sc_bundles>
// kernel: kernel.4.cloned.1.call-start
scs
__scs_entry_jumppad:
0x0: {  	(pc) =	sbr.rel $0x88, $3  }
0x1: {  	(tag) =	ssettag $0x0;
	lr =	simm.s32 $0x1  }
0x2: {  	[smem:$0x3F9E] =	sst lr;
	_ =	strace $0xD0000000  }
0x3: {  	_ = 	snop  }
0x4: {  	_ = 	snop  }
0x5: {  	_ = 	snop  }
0x6: {  	_ = 	snop  }
0x7: {  	_ = 	snop  }
__scs_overlays_trampoline_lowered:
0x8: {  	[smem:$0x3FAD] =	sst s0  }
0x9: {  	[smem:$0x3FAE] =	sst s1  }
0xa: {  	[smem:$0x3FAF] =	sst s2  }
0xb: {  	[smem:$0x3FB0] =	sst s3  }
0xc: {  	[smem:$0x3FB1] =	sst s4  }
0xd: {  	[smem:$0x3FB2] =	sst s5  }
0xe: {  	[smem:$0x3FB3] =	sst s6  }
0xf: {  	[smem:$0x3FB4] =	sst s7  }
0x10: {  	[smem:$0x3FB5] =	sst s8  }
0x11: {  	[smem:$0x3FB6] =	sst s9;
	s0 =	simm.s32 @!p0 $0x0  }
0x12: {  	s1 =	sld [smem:$0x3F9C];
	s0 =	simm.s32 @p0 $0x1  }
0x13: {  	[smem:$0x3FB7] =	sst s0;
	s0 =	simm.s32 @!p1 $0x0  }
0x14: {  	s2 =	sld [smem:$0x3F9B];
	s0 =	simm.s32 @p1 $0x1  }
0x15: {  	[smem:$0x3FB8] =	sst s0;
	s0 =	simm.s32 @!p2 $0x0  }
0x16: {  	s3 =	sld [smem:$0x3FDB];
	s0 =	simm.s32 @p2 $0x1  }
0x17: {  	s4 =	simm.s32 $0x1BF5;
	[smem:$0x3FBA] =	sst s0  }
0x18: {  	s0 =	sld [smem:$0x3F9D];
	_ =	swait.ge [sflag:s4], $0x0  }
0x19: {  	s7 =	sld [smem:$0x3F9E]  }
0x1a: {  	s8 =	sadd.s32 $0xFFFFE003, lr  }
0x1b: {  	s9 =	sadd.s32 $0xFFFFFEF7, lr;
	s5 =	simm.s32 $0xFFFFFFFF;
	p2 =	slt.u32 s8, $0xFFFFF086  }
0x1c: {  	p1 =	slt.u32 s9, $0xF7A;
	s5 =	simm.s32 @!p2 $0x0  }
0x1d: {  	s5 =	simm.s32 @p1 $0x1;
	p0 =	seq.s32 s7, s2  }
0x1e: {  	s7 =	smul.u32 @!p0 $0xF7A, s2;
	p2 =	seq.s32 @!p0 s5, $0x0  }
0x1f: {  	s9 =	smul.u32 $0xF7A, s1;
	s8 =	simm.s32 @!p0 $0x1BF5;
	p2 =	por !p2, p0  }
0x20: {  	[sflag:s8] =	ssyncset.s32 @!p0 $0xFFFFF086;
	s6 =	sadd.s32 @!p0 s3, s7;
	s7 =	simm.s32 @!p0 $0x108  }
0x21: {  	s3 =	sadd.s32 s3, s9;
	s6 =	sadd.s32 @!p0 $0x88, s6;
	s7 =	simm.s32 @p2 $0x1082  }
0x22: {  	[simem:s7], [sflag:s8] =	dma.local @!p0 [hbm:s6], $0xF7A  }
0x23: {  	s9 =	sor.u32 $0xD0000000, s2;
	s6 =	simm.s32 $0x108;
	_ =	swait.ge @!p0 [sflag:s8], $0x0  }
0x24: {  	s3 =	sadd.s32 $0x88, s3;
	s6 =	simm.s32 @!p1 $0x1082;
	[sflag:s4] =	ssyncset.s32 $0xFFFFF086  }
0x25: {  	[simem:s6], [sflag:s4] =	dma.local [hbm:s3], $0xF7A  }
0x26: {  	[smem:$0x3F9E] =	sst s1;
	(tag) =	ssettag s2;
	_ =	strace s9  }
0x27: {  	s1 =	sld [smem:$0x3FAE]  }
0x28: {  	s2 =	sld [smem:$0x3FAF]  }
0x29: {  	s4 =	sld [smem:$0x3FB1]  }
0x2a: {  	p0 =	seq.s32 s5, $0x0;
	s5 =	sld [smem:$0x3FB2]  }
0x2b: {  	s6 =	sld [smem:$0x3FB3]  }
0x2c: {  	s7 =	sld [smem:$0x3FB4]  }
0x2d: {  	s3 =	simm.s32 $0x108;
	s8 =	sld [smem:$0x3FB5]  }
0x2e: {  	s3 =	simm.s32 @!p0 $0x1082;
	s9 =	sld [smem:$0x3FB6]  }
0x2f: {  	lr =	sadd.s32 s0, s3;
	s0 =	sld [smem:$0x3FAD]  }
0x30: {  	s3 =	sld [smem:$0x3FB0]  }
0x31: {  	[smem:$0x3FB9] =	sst s10  }
0x32: {  	s10 =	sld [smem:$0x3FB7];
	_ =	sdelay $0x3  }
0x33: {  	p0 =	seq.s32 s10, $0x1;
	s10 =	sld [smem:$0x3FB9];
	_ =	sdelay $0x3  }
0x34: {  	[smem:$0x3FB9] =	sst s10  }
0x35: {  	s10 =	sld [smem:$0x3FB8];
	_ =	sdelay $0x3  }
0x36: {  	p1 =	seq.s32 s10, $0x1;
	s10 =	sld [smem:$0x3FB9];
	_ =	sdelay $0x3  }
0x37: {  	[smem:$0x3FB9] =	sst s10  }
0x38: {  	s10 =	sld [smem:$0x3FBA]  }
0x39: {  	_ = 	snop;
	(pc) =	sbr.ind lr, $3  }
0x3a: {  	_ = 	snop  }
0x3b: {  	_ = 	snop  }
0x3c: {  	p2 =	seq.s32 s10, $0x1;
	s10 =	sld [smem:$0x3FB9]  }
0x3d: {  	_ =	shalt  }
0x3e: {  	_ =	shalt  }
0x3f: {  	_ =	shalt  }
0x40: {  	_ =	shalt  }
0x41: {  	_ =	shalt  }
0x42: {  	_ =	shalt  }
0x43: {  	_ =	shalt  }
0x44: {  	_ =	shalt  }
0x45: {  	_ =	shalt  }
0x46: {  	_ =	shalt  }
0x47: {  	_ =	shalt  }
0x48: {  	_ =	shalt  }
0x49: {  	_ =	shalt  }
0x4a: {  	_ =	shalt  }
0x4b: {  	_ =	shalt  }
0x4c: {  	_ =	shalt  }
0x4d: {  	_ =	shalt  }
0x4e: {  	_ =	shalt  }
0x4f: {  	_ =	shalt  }
0x50: {  	_ =	shalt  }
0x51: {  	_ =	shalt  }
0x52: {  	_ =	shalt  }
0x53: {  	_ =	shalt  }
0x54: {  	_ =	shalt  }
0x55: {  	_ =	shalt  }
0x56: {  	_ =	shalt  }
0x57: {  	_ =	shalt  }
0x58: {  	_ =	shalt  }
0x59: {  	_ =	shalt  }
0x5a: {  	_ =	shalt  }
0x5b: {  	_ =	shalt  }
0x5c: {  	_ =	shalt  }
0x5d: {  	_ =	shalt  }
0x5e: {  	_ =	shalt  }
0x5f: {  	_ =	shalt  }
0x60: {  	_ =	shalt  }
0x61: {  	_ =	shalt  }
0x62: {  	_ =	shalt  }
0x63: {  	_ =	shalt  }
0x64: {  	_ =	shalt  }
0x65: {  	_ =	shalt  }
0x66: {  	_ =	shalt  }
0x67: {  	_ =	shalt  }
0x68: {  	_ =	shalt  }
0x69: {  	_ =	shalt  }
0x6a: {  	_ =	shalt  }
0x6b: {  	_ =	shalt  }
0x6c: {  	_ =	shalt  }
0x6d: {  	_ =	shalt  }
0x6e: {  	_ =	shalt  }
0x6f: {  	_ =	shalt  }
0x70: {  	_ =	shalt  }
0x71: {  	_ =	shalt  }
0x72: {  	_ =	shalt  }
0x73: {  	_ =	shalt  }
0x74: {  	_ =	shalt  }
0x75: {  	_ =	shalt  }
0x76: {  	_ =	shalt  }
0x77: {  	_ =	shalt  }
0x78: {  	_ =	shalt  }
0x79: {  	_ =	shalt  }
0x7a: {  	_ =	shalt  }
0x7b: {  	_ =	shalt  }
0x7c: {  	_ =	shalt  }
0x7d: {  	_ =	shalt  }
0x7e: {  	_ =	shalt  }
0x7f: {  	_ =	shalt  }
0x80: {  	_ =	shalt  }
0x81: {  	_ =	shalt  }
0x82: {  	_ =	shalt  }
0x83: {  	_ =	shalt  }
0x84: {  	_ =	shalt  }
0x85: {  	_ =	shalt  }
0x86: {  	_ =	shalt  }
0x87: {  	_ =	shalt  }
.Lfunc_end0:
.L_simem_size_0:
called_computation.1_lowered:
.L_overlay_start_0:
0x88: {  	s2 =	sld [smem:$0x3FD9]  }
0x89: {  	s3 =	sld [smem:$0x3FFE];
	_ =	sdelay $0x1  }
0x8a: {  	s1 =	srdreg.scid  }
0x8b: {  	s0 =	sand.u32 $0x1, s1  }
0x8c: {  	s16 =	sshll.u32 s0, $0xA;
	s2 =	sadd.s32 s3, s2  }
0x8d: {  	s2 =	sadd.s32 s2, s16  }
0x8e: {  	[smem:$0x3FC5] =	sst s2  }
0x8f: {  	_ = 	snop  }
0x90: {  	(tm) =	ssettm $0x1  }
0x91: {  	s17 =	sld [smem:$0x3FFB];
	_ =	sdelay $0x3  }
0x92: {  	_ =	strace s17  }
0x93: {  	s2 =	sld [smem:$0x3FFC];
	_ =	sdelay $0x3  }
0x94: {  	_ =	strace s2  }
0x95: {  	s2 =	sld [smem:$0x3FFD];
	_ =	sdelay $0x3  }
0x96: {  	_ =	strace s2  }
0x97: {  	_ =	strace $0x8FFFFFFF  }
0x98: {  	s18 =	sld [smem:$0x3FDB];
	_ =	sdelay $0x1  }
0x99: {  	s19 =	simm.s32 $_scs_section_size  }
0x9a: {  	s4 =	simm.s32 $_size__tile_overlayer_lowered;
	s5 =	simm.s32 $_tile_overlayer_lowered  }
0x9b: {  	s22 =	simm.s32 $0x1BFF;
	s21 =	sshll.u32 s5, $0x1;
	s2 =	sadd.s32 s19, s18  }
0x9c: {  	s6 =	simm.s32 $0x0;
	s20 =	sshll.u32 s4, $0x1;
	s4 =	sadd.s32 s21, s2  }
0x9d: {  	[timem:s6], [sflag:s22] =	dma.local [hbm:s4], s20  }
0x9e: {  	_ =	swait.ge [sflag:s22], s20  }
0x9f: {  	s3 =	ssub.s32 $0x0, s20;
	[sflag:s22] =	ssyncset.done $0x0  }
0xa0: {  	[sflag:s22] =	ssyncadd.s32 s3;
	_ =	sdelay $0x1  }
0xa1: {  	s23 =	simm.s32 $0x1B8B  }
0xa2: {  	_ =	swait.ge [sflag:s23], $0x1  }
0xa3: {  	[sflag:s23] =	ssyncset.done $0x0  }
0xa4: {  	s25 =	simm.s32 $0x1B8E;
	s24 =	sld [smem:$0x3FFE];
	[sflag:s23] =	ssyncadd.s32 $0xFFFFFFFF  }
0xa5: {  	s26 =	simm.s32 $execute0_lowered;
	[smem:$0x3FD2] =	sst s25  }
0xa6: {  	s4 =	sshll.u32 s26, $0x1;
	_ =	strace $0x80000049;
	[dreg:$0x1] =	wrdreg $0xFFFFFFFF  }
0xa7: {  	s28 =	simm.s32 $_size_execute0_lowered;
	s2 =	sadd.s32 s2, s4;
	[dreg:$0x0] =	wrdreg $0x0  }
0xa8: {  	s4 =	sshll.u32 s28, $0x1;
	[dreg:$0x2] =	wrdreg s2  }
0xa9: {  	[dreg:$0x3] =	wrdreg s4  }
0xaa: {  	[dreg:$0x4] =	wrdreg $0xC0  }
0xab: {  	_ =	task [dreg:s6], $0x5FFFF  }
0xac: {  	[dreg:$0x1] =	wrdreg $0xFFFFFFFF  }
0xad: {  	[dreg:$0x0] =	wrdreg $0x60  }
0xae: {  	[dreg:$0x2] =	wrdreg s24  }
0xaf: {  	[dreg:$0x3] =	wrdreg $0x79000  }
0xb0: {  	[dreg:$0x4] =	wrdreg $0x9  }
0xb1: {  	_ =	task.clear_ibuf [dreg:s6], $0x5FFFF;
	_ =	strace $0x90000049  }
0xb2: {  	s29 =	simm.s32 $0x9;
	_ =	strace $0x8000004B  }
0xb3: {  	_ =	swait.ge [sflag:s29], $0x1  }
0xb4: {  	[sflag:s29] =	ssyncadd.s32 $0xFFFFFFFF  }
0xb5: {  	_ =	strace $0x9000004B  }
0xb6: {  	_ =	sfence  }
0xb7: {  	s30 =	sld [smem:$0x0];
	_ =	sdelay $0x2  }
0xb8: {  	s31 =	sshll.u32 s1, $0xD;
	s1 =	sshrl.u32 s1, $0x2  }
0xb9: {  	s3 =	sand.u32 $0x4000, s31;
	s1 =	sadd.s32 s1, s30  }
0xba: {  	s0 =	sor.u32 s3, s0;
	s1 =	sshll.u32 s1, $0x11  }
0xbb: {  	s0 =	sor.u32 s1, s0  }
0xbc: {  	s0 =	sadd.s32 $0x8F2B, s0  }
0xbd: {  	[sflag:s0] =	ssyncadd.remote.s32 $0x1  }
0xbe: {  	_ =	sfence.sel $0xFFFF  }
0xbf: {  	[dreg:$0x0] =	wrdreg $0xFFFFFFFF;
	(pc) =	sbr.abs _section_cstart, $3  }
0xc0: {  	[dreg:$0x1] =	wrdreg $0xFFFFFFFF  }
0xc1: {  	_ =	task.clear_ibuf [dreg:s6], $0x2FFFF;
	_ =	strace $0x9FFFFFFF  }
0xc2: {  	(tm) =	ssettm $0x7FFFFFFF  }
0xc3: {  	_ =	shalt  }
tec
execute0_lowered:
.L_overlay_start_1:
0x0: {  	(tag) =	ssettag $0x1  }
0x1: {  	s0 =	srdreg.scid;
	s4 =	rddreg [dreg:$0x0]  }
0x2: {  	s17 =	stileid.u32;
	s1 =	rddreg [dreg:$0x1];
	s2 =	simm.s32 $0x0  }
0x3: {  	s11 =	simm.s32 $0x3000;
	s12 =	simm.s32 $0x7800;
	s13 =	simm.s32 $0x4  }
0x4: {  	s14 =	simm.s32 $0x1;
	s15 =	simm.s32 $0x80;
	s16 =	simm.s32 $0x2  }
0x5: {  	s19 =	simm.s32 $0x0;
	s3 =	sand.u32 $0x1, s0;
	s0 =	rddreg [dreg:$0x2]  }
0x6: {  	s29 =	sshll.u32 s17, $0x1;
	[smem:$0x7FF] =	sst s2;
	s31 =	sshll.u32 s17, $0x8  }
0x7: {  	p0 =	sne.s32 s17, $0x0;
	s17 =	simm.s32 $0x3;
	s5 =	sor.u32 s3, s29  }
0x8: {  	_ =	strace $0x8000004A;
	s6 =	ssub.s32 $0x2, s3;
	s5 =	smul.u32 $0x1800, s5  }
0x9: {  	s30 =	sshll.u32 s3, $0x4;
	s3 =	sadd.s32 $0x1000, s4;
	s18 =	sshrl.u32 @!p0 s1, $0x3  }
0xa: {  	s8 =	sshrl.u32 s6, $0x1;
	s9 =	sadd.s32 s30, s4;
	s5 =	sshrl.u32 s5, $0x3  }
0xb: {  	s10 =	ssub.s32 s6, s8;
	s8 =	sadd.s32 $0x213000, s9;
	s7 =	sadd.s32 s5, s4  }
0xc: {  	s9 =	smax.u32 s10, $0x1;
	s10 =	simm.s32 $0x1800;
	s4 =	sadd.s32 $0x201000, s7  }
0xd: {  	v0 =	vimm.f32 $0.0e+00;
	s5 =	sadd.s32 $0x207000, s7;
	s6 =	sadd.s32 $0x20D000, s7;
	s7 =	sadd.s32 s31, s1  }
.LBB2_1:
0xe: {  	[tilespmem:s2], [sflag:$0x1] =	stream.linear.gather [hbm4b:s4+s2], $0x1480, $0x38;
	[tilespmem:$0x7A00] =	vst v63  }
0xf: {  	_ = 	snop  }
0x10: {  	[tilespmem:s10], [sflag:$0x1] =	stream.linear.gather [hbm4b:s5+s2], $0x1480, $0x38;
	[tilespmem:$0x7A00] =	vst v63  }
0x11: {  	_ = 	snop  }
0x12: {  	[tilespmem:s11], [sflag:$0x1] =	stream.linear.gather [hbm4b:s6+s2], $0x1480, $0x38;
	[tilespmem:$0x7A00] =	vst v63  }
0x13: {  	[tilespmem:$0x7800] =	vst v0  }
0x14: {  	[tilespmem:$0x7810] =	vst v0  }
0x15: {  	[tilespmem:$0x7820] =	vst v0  }
0x16: {  	[tilespmem:$0x7830] =	vst v0  }
0x17: {  	[tilespmem:$0x7840] =	vst v0  }
0x18: {  	[tilespmem:$0x7850] =	vst v0  }
0x19: {  	[tilespmem:$0x7860] =	vst v0  }
0x1a: {  	[tilespmem:$0x7870] =	vst v0  }
0x1b: {  	[tilespmem:$0x7880] =	vst v0  }
0x1c: {  	[tilespmem:$0x7890] =	vst v0  }
0x1d: {  	[tilespmem:$0x78A0] =	vst v0  }
0x1e: {  	[tilespmem:$0x78B0] =	vst v0  }
0x1f: {  	[tilespmem:$0x78C0] =	vst v0  }
0x20: {  	[tilespmem:$0x78D0] =	vst v0  }
0x21: {  	[tilespmem:$0x78E0] =	vst v0  }
0x22: {  	[tilespmem:$0x78F0] =	vst v0  }
0x23: {  	[spmem:s7] =	stream.linear.scatter [tilespmem:s12], [sflag:$0x4], $0x100, $0x38;
	[tilespmem:$0x7A00] =	vst v63  }
0x24: {  	_ =	swait.ge [sflag:s13], $0x100  }
0x25: {  	[sflag:s13] =	ssyncset.done $0x0  }
0x26: {  	[sflag:s13] =	ssyncadd.s32 $0xFFFFFF00  }
0x27: {  	_ =	swait.ge [sflag:s14], $0x1480  }
0x28: {  	[sflag:s14] =	ssyncset.done $0x0  }
0x29: {  	[sflag:s14] =	ssyncadd.s32 $0xFFFFEB80  }
0x2a: {  	_ =	swait.ge [sflag:s14], $0x1480  }
0x2b: {  	[sflag:s14] =	ssyncset.done $0x0  }
0x2c: {  	s20 =	simm.s32 $0x0;
	[sflag:s14] =	ssyncadd.s32 $0xFFFFEB80  }
0x2d: {  	v8 =	vld [tilespmem:s20+$0x1800]  }
0x2e: {  	v6 =	vld [tilespmem:s20+$0x1810]  }
0x2f: {  	v5 =	vld [tilespmem:s20+$0x1820]  }
0x30: {  	v4 =	vld [tilespmem:s20+$0x1830]  }
0x31: {  	v3 =	vld [tilespmem:s20+$0x1840]  }
0x32: {  	v2 =	vld [tilespmem:s20+$0x1850]  }
0x33: {  	v1 =	vld [tilespmem:s20+$0x1860]  }
0x34: {  	v7 =	vld [tilespmem:s20+$0x0]  }
0x35: {  	v13 =	vld [tilespmem:s20+$0x10]  }
0x36: {  	v11 =	vld [tilespmem:s20+$0x20]  }
0x37: {  	v10 =	vld [tilespmem:s20+$0x30]  }
0x38: {  	v9 =	vld [tilespmem:s20+$0x40]  }
0x39: {  	v12 =	vshll.u32 v7, $0xC;
	v7 =	vld [tilespmem:s20+$0x50]  }
0x3a: {  	s21 =	simm.s32 $0x200;
	v13 =	vshll.u32 v13, $0xC;
	v12 =	vadd.s32 v8, v12;
	v8 =	vld [tilespmem:s20+$0x60]  }
.LBB2_2:
0x3b: {  	p1 =	sne.s32 s21, $0x5000;
	[tilespmem:s20+$0x4800] =	vst v12;
	v6 =	vadd.s32 v6, v13;
	v11 =	vshll.u32 v11, $0xC;
	v12 =	vld [tilespmem:s20+$0x70]  }
0x3c: {  	[tilespmem:s20+$0x4810] =	vst v6;
	v5 =	vadd.s32 v5, v11;
	v6 =	vshll.u32 v10, $0xC;
	v10 =	vld [tilespmem:s20+$0x1870]  }
0x3d: {  	[tilespmem:s20+$0x4820] =	vst v5;
	v4 =	vadd.s32 v4, v6;
	v5 =	vshll.u32 v9, $0xC  }
0x3e: {  	[tilespmem:s20+$0x4830] =	vst v4;
	v3 =	vadd.s32 v3, v5;
	v4 =	vshll.u32 v7, $0xC  }
0x3f: {  	[tilespmem:s20+$0x4840] =	vst v3;
	v2 =	vadd.s32 v2, v4;
	v3 =	vshll.u32 v8, $0xC  }
0x40: {  	[tilespmem:s20+$0x4850] =	vst v2;
	v1 =	vadd.s32 v1, v3;
	v2 =	vshll.u32 v12, $0xC  }
0x41: {  	s22 =	sshra.s32 s21, $0x2;
	s23 =	sadd.s32 $0x4800, s20;
	s24 =	sadd.s32 $0x6000, s20;
	[tilespmem:s20+$0x4860] =	vst v1;
	v1 =	vadd.s32 v10, v2  }
0x42: {  	[tilespmem:s20+$0x4870] =	vst v1;
	[tilespmem:s24], [sflag:$0x2] =	stream.indirect.gather [hbm4b:s3+s15], $0x1, s23, s15, $0xb8  }
0x43: {  	s20 =	smov.u32 s22;
	v8 =	vld [tilespmem:s22+$0x1800]  }
0x44: {  	v6 =	vld [tilespmem:s20+$0x1810]  }
0x45: {  	v5 =	vld [tilespmem:s20+$0x1820]  }
0x46: {  	v4 =	vld [tilespmem:s20+$0x1830]  }
0x47: {  	v3 =	vld [tilespmem:s20+$0x1840]  }
0x48: {  	v2 =	vld [tilespmem:s20+$0x1850]  }
0x49: {  	v1 =	vld [tilespmem:s20+$0x1860]  }
0x4a: {  	v7 =	vld [tilespmem:s20+$0x0]  }
0x4b: {  	v13 =	vld [tilespmem:s20+$0x10]  }
.Ltmp0:
0x4c: {  	v11 =	vld [tilespmem:s20+$0x20];
	(pc) =	sbr.rel @p1 .LBB2_2-.Ltmp0, $4  }
0x4d: {  	v10 =	vld [tilespmem:s20+$0x30]  }
0x4e: {  	v9 =	vld [tilespmem:s20+$0x40]  }
0x4f: {  	v12 =	vshll.u32 v7, $0xC;
	v7 =	vld [tilespmem:s20+$0x50]  }
0x50: {  	s21 =	sadd.s32 $0x200, s21;
	v12 =	vadd.s32 v8, v12;
	v13 =	vshll.u32 v13, $0xC;
	v8 =	vld [tilespmem:s20+$0x60]  }
0x51: {  	[tilespmem:s20+$0x4800] =	vst v12;
	v6 =	vadd.s32 v6, v13;
	v59 =	vld [tilespmem:s20+$0x70];
	v11 =	vshll.u32 v11, $0xC  }
0x52: {  	v61 =	vld [tilespmem:s20+$0x1870];
	[tilespmem:s20+$0x4810] =	vst v6;
	v5 =	vadd.s32 v5, v11;
	v60 =	vshll.u32 v10, $0xC  }
0x53: {  	[tilespmem:s20+$0x4820] =	vst v5;
	v4 =	vadd.s32 v4, v60;
	v62 =	vshll.u32 v9, $0xC  }
0x54: {  	[tilespmem:s20+$0x4830] =	vst v4;
	v3 =	vadd.s32 v3, v62;
	v63 =	vshll.u32 v7, $0xC  }
0x55: {  	[tilespmem:s20+$0x4840] =	vst v3;
	v2 =	vadd.s32 v2, v63;
	v3 =	vshll.u32 v8, $0xC  }
0x56: {  	[tilespmem:s20+$0x4850] =	vst v2;
	v1 =	vadd.s32 v1, v3;
	v2 =	vshll.u32 v59, $0xC  }
0x57: {  	[tilespmem:s20+$0x4860] =	vst v1;
	v1 =	vadd.s32 v61, v2  }
0x58: {  	s21 =	sadd.s32 $0x4800, s20;
	s22 =	sadd.s32 $0x6000, s20;
	[tilespmem:s20+$0x4870] =	vst v1  }
0x59: {  	[tilespmem:s22], [sflag:$0x2] =	stream.indirect.gather [hbm4b:s3+s15], $0x1, s21, s15, $0xb8;
	[tilespmem:$0x7A00] =	vst v63  }
0x5a: {  	_ =	swait.ge [sflag:s14], $0x1480  }
0x5b: {  	[sflag:s14] =	ssyncset.done $0x0  }
0x5c: {  	[sflag:s14] =	ssyncadd.s32 $0xFFFFEB80  }
0x5d: {  	[bflag:$0x0] =	sbarrier.arrive $0xFFFF  }
0x5e: {  	_ =	swait.ge [sflag:s16], $0x80  }
0x5f: {  	[sflag:s16] =	ssyncset.done $0x0  }
0x60: {  	s20 =	simm.s32 $0x0;
	[sflag:s16] =	ssyncadd.s32 $0xFFFFFF80  }
0x61: {  	s21 =	simm.s32 $0x200;
	v1 =	vld [tilespmem:s20+$0x6070]  }
.LBB2_4:
0x62: {  	p1 =	sne.s32 s21, $0x5000;
	v2 =	vld [tilespmem:s20+$0x3070];
	s22 =	smov.u32 s21;
	s21 =	sadd.s32 $0x200, s21  }
0x63: {  	v3 =	vld [tilespmem:s20+$0x6050]  }
0x64: {  	v4 =	vld [tilespmem:s20+$0x6040]  }
0x65: {  	v5 =	vld [tilespmem:s20+$0x3050]  }
0x66: {  	v6 =	vld [tilespmem:s20+$0x3040]  }
0x67: {  	v7 =	vld [tilespmem:s20+$0x6030]  }
0x68: {  	v8 =	vld [tilespmem:s20+$0x3030]  }
0x69: {  	v9 =	vld [tilespmem:s20+$0x3020]  }
0x6a: {  	v10 =	vld [tilespmem:s20+$0x6020]  }
0x6b: {  	v4 =	vmul.f32 v4, v6;
	v6 =	vld [tilespmem:s20+$0x6060]  }
0x6c: {  	v11 =	vld [tilespmem:s20+$0x6010]  }
0x6d: {  	v3 =	vmul.f32 v3, v5;
	v12 =	vld [tilespmem:s20+$0x3000];
	v7 =	vmul.f32 v7, v8;
	[tilespmem:s20+$0x6040] =	vst v4  }
0x6e: {  	v4 =	vld [tilespmem:s20+$0x3010]  }
0x6f: {  	v5 =	vmul.f32 v10, v9;
	[tilespmem:s20+$0x6050] =	vst v3;
	v3 =	vld [tilespmem:s20+$0x3060]  }
0x70: {  	v1 =	vmul.f32 v1, v2;
	v8 =	vld [tilespmem:s20+$0x6000];
	[tilespmem:s20+$0x6030] =	vst v7  }
0x71: {  	[tilespmem:s20+$0x6020] =	vst v5  }
0x72: {  	[tilespmem:s20+$0x6070] =	vst v1  }
0x73: {  	v1 =	vmul.f32 v11, v4  }
0x74: {  	v2 =	vmul.f32 v6, v3  }
0x75: {  	v3 =	vmul.f32 v8, v12;
	[tilespmem:s20+$0x6010] =	vst v1  }
0x76: {  	[tilespmem:s20+$0x6060] =	vst v2  }
0x77: {  	s23 =	sadd.s32 $0x6000, s20;
	[tilespmem:s20+$0x6000] =	vst v3  }
0x78: {  	[spmem:s1] =	stream.indirect.scatter.add.f32 [tilespmem:s23], [sflag:$0x3], $0x1, s20, s15, $0xb8;
	[tilespmem:$0x7A00] =	vst v63  }
.Ltmp1:
0x79: {  	_ = 	snop;
	(pc) =	sbr.rel @p1 .LBB2_4-.Ltmp1, $4  }
0x7a: {  	_ =	swait.ge [sflag:s16], $0x80  }
0x7b: {  	[sflag:s16] =	ssyncset.done $0x0  }
0x7c: {  	s20 =	sshra.s32 s22, $0x2;
	[sflag:s16] =	ssyncadd.s32 $0xFFFFFF80  }
0x7d: {  	v1 =	vld [tilespmem:s20+$0x6070]  }
0x7e: {  	v2 =	vld [tilespmem:s20+$0x3070]  }
0x7f: {  	v3 =	vld [tilespmem:s20+$0x6050]  }
0x80: {  	v4 =	vld [tilespmem:s20+$0x6040]  }
0x81: {  	v5 =	vld [tilespmem:s20+$0x3050]  }
0x82: {  	v6 =	vld [tilespmem:s20+$0x3040]  }
0x83: {  	v7 =	vld [tilespmem:s20+$0x6030]  }
0x84: {  	v8 =	vld [tilespmem:s20+$0x3030]  }
0x85: {  	v9 =	vld [tilespmem:s20+$0x3020]  }
0x86: {  	v10 =	vld [tilespmem:s20+$0x6020]  }
0x87: {  	v11 =	vld [tilespmem:s20+$0x6060]  }
0x88: {  	v59 =	vld [tilespmem:s20+$0x6010]  }
0x89: {  	v12 =	vld [tilespmem:s20+$0x3000];
	v3 =	vmul.f32 v3, v5  }
0x8a: {  	v60 =	vld [tilespmem:s20+$0x3010]  }
0x8b: {  	v4 =	vmul.f32 v4, v6;
	[tilespmem:s20+$0x6050] =	vst v3;
	v3 =	vld [tilespmem:s20+$0x3060]  }
0x8c: {  	v62 =	vld [tilespmem:s20+$0x6000];
	v61 =	vmul.f32 v7, v8  }
0x8d: {  	v63 =	vmul.f32 v10, v9;
	[tilespmem:s20+$0x6040] =	vst v4  }
0x8e: {  	v1 =	vmul.f32 v1, v2;
	[tilespmem:s20+$0x6030] =	vst v61  }
0x8f: {  	v2 =	vmul.f32 v59, v60;
	[tilespmem:s20+$0x6020] =	vst v63  }
0x90: {  	[tilespmem:s20+$0x6070] =	vst v1;
	v1 =	vmul.f32 v11, v3  }
0x91: {  	[tilespmem:s20+$0x6010] =	vst v2;
	v3 =	vmul.f32 v62, v12  }
0x92: {  	[tilespmem:s20+$0x6060] =	vst v1  }
0x93: {  	s21 =	sadd.s32 $0x6000, s20;
	[tilespmem:s20+$0x6000] =	vst v3  }
0x94: {  	[spmem:s1] =	stream.indirect.scatter.add.f32 [tilespmem:s21], [sflag:$0x3], $0x1, s20, s15, $0xb8;
	[tilespmem:$0x7A00] =	vst v63  }
0x95: {  	_ =	swait.ge [sflag:s17], $0x1480  }
0x96: {  	s22 =	simm.s32 @!p0 $0x10;
	s19 =	sadd.s32 $0x1, s19;
	[sflag:s17] =	ssyncset.done $0x0  }
0x97: {  	s23 =	simm.s32 @!p0 $0x1C04;
	p1 =	sne.s32 s19, s9;
	[sflag:s17] =	ssyncadd.s32 $0xFFFFEB80  }
0x98: {  	s20 =	simm.s32 @!p0 $0x1;
	s21 =	simm.s32 @!p0 $0x20;
	[bflag:$0x0] =	sbarrier.arrive $0xFFFF  }
0x99: {  	[hbm:s8@s21], [sflag:s23] =	dma.strided @!p0 [spmem:s18@s22], $0x200, s20, $0x10   }
.Ltmp2:
0x9a: {  	_ = 	snop;
	(pc) =	sbr.rel @p1 .LBB2_1-.Ltmp2, $4  }
0x9b: {  	s20 =	simm.s32 @!p0 $0x4  }
0x9c: {  	_ =	swait.ge @!p0 [sflag:s20], $0x200  }
0x9d: {  	[sflag:s20] =	ssyncset.done @!p0 $0x0  }
0x9e: {  	[sflag:s20] =	ssyncadd.s32 @!p0 $0xFFFFFE00  }
0x9f: {  	_ =	sfence.sel $0x180000  }
0xa0: {  	[bflag:$0x0] =	sbarrier.arrive $0xFFFF  }
0xa1: {  	_ =	strace $0x9000004A  }
0xa2: {  	s0 =	sadd.s32 @!p0 $0x100000, s0;
	[bflag:$0x2] =	sbarrier.arrive $0xFFFF  }
0xa3: {  	[sflag:s0] =	ssyncadd.tile.s32 @!p0 $0x1;
	_ =	shalt  }
.Lfunc_end2:
_tile_overlayer_lowered:
.L_overlay_start_2:
0xa4: {  	(tag) =	ssettag $0x2  }
0xa5: {  	s0 =	rddreg [dreg:$0x0];
	s2 =	stileid.u32  }
0xa6: {  	s1 =	rddreg [dreg:$0x1];
	p0 =	sne.s32 s2, $0x0  }
0xa7: {  	s3 =	rddreg [dreg:$0x2];
	[bflag:$0x3] =	sbarrier.arrive $0xFFFF;
	s2 =	simm.s32 @!p0 $0x1C04  }
0xa8: {  	[timem:s3], [sflag:s2] =	dma.local @!p0 [hbm:s0], s1  }
0xa9: {  	s0 =	simm.s32 @!p0 $0x4  }
0xaa: {  	_ =	swait.ge @!p0 [sflag:s0], s1  }
0xab: {  	s1 =	ssub.s32 @!p0 $0x0, s1;
	[sflag:s0] =	ssyncset.done @!p0 $0x0  }
0xac: {  	[sflag:s0] =	ssyncadd.s32 @!p0 s1  }
0xad: {  	[bflag:$0x3] =	sbarrier.arrive $0xFFFF  }
0xae: {  	_ =	shalt  }

// kernel: sparse-core-data-format-call.cloned.1.call-start
scs
called_computation_lowered:
.L_overlay_start_0:
0x0: {  	s2 =	sld [smem:$0x3FD9]  }
0x1: {  	s3 =	sld [smem:$0x3FFE];
	_ =	sdelay $0x1  }
0x2: {  	s1 =	srdreg.scid  }
0x3: {  	s0 =	sand.u32 $0x1, s1  }
0x4: {  	s18 =	sshll.u32 s0, $0xA;
	s2 =	sadd.s32 s3, s2  }
0x5: {  	s2 =	sadd.s32 s2, s18  }
0x6: {  	[smem:$0x3FC5] =	sst s2  }
0x7: {  	_ = 	snop  }
0x8: {  	s2 =	sld [smem:$0x3FC9];
	(tm) =	ssettm $0x1  }
0x9: {  	s19 =	sld [smem:$0x3FFB];
	_ =	sdelay $0x3  }
0xa: {  	_ =	strace s19  }
0xb: {  	s3 =	sld [smem:$0x3FFC];
	_ =	sdelay $0x3  }
0xc: {  	_ =	strace s3  }
0xd: {  	s3 =	sld [smem:$0x3FFD];
	_ =	sdelay $0x3  }
0xe: {  	_ =	strace s3  }
0xf: {  	_ =	strace $0x8FFFFFFF  }
0x10: {  	s20 =	sld [smem:$0x3FDB];
	_ =	sdelay $0x1  }
0x11: {  	s4 =	simm.s32 $_scs_section_size  }
0x12: {  	s5 =	simm.s32 $_size__tile_overlayer_lowered;
	s6 =	simm.s32 $_tile_overlayer_lowered  }
0x13: {  	s23 =	simm.s32 $0x1BFF;
	s22 =	sshll.u32 s6, $0x1;
	s3 =	sadd.s32 s4, s20  }
0x14: {  	s7 =	simm.s32 $0x0;
	s21 =	sshll.u32 s5, $0x1;
	s5 =	sadd.s32 s22, s3  }
0x15: {  	[timem:s7], [sflag:s23] =	dma.local [hbm:s5], s21  }
0x16: {  	_ =	swait.ge [sflag:s23], s21  }
0x17: {  	s4 =	ssub.s32 $0x0, s21;
	[sflag:s23] =	ssyncset.done $0x0  }
0x18: {  	[sflag:s23] =	ssyncadd.s32 s4;
	_ =	sdelay $0x1  }
0x19: {  	s24 =	simm.s32 $0x1B8B  }
0x1a: {  	_ =	swait.ge [sflag:s24], $0x1  }
0x1b: {  	[sflag:s24] =	ssyncset.done $0x0  }
0x1c: {  	s26 =	simm.s32 $0x1B8E;
	s25 =	sld [smem:$0x3FFE];
	[sflag:s24] =	ssyncadd.s32 $0xFFFFFFFF  }
0x1d: {  	s27 =	simm.s32 $execute0_lowered;
	[smem:$0x3FD2] =	sst s26  }
0x1e: {  	s5 =	sshll.u32 s27, $0x1;
	_ =	strace $0x80000046;
	[dreg:$0x1] =	wrdreg $0xFFFFFFFF  }
0x1f: {  	s28 =	simm.s32 $_size_execute0_lowered;
	s3 =	sadd.s32 s3, s5;
	[dreg:$0x0] =	wrdreg $0x0  }
0x20: {  	s5 =	sshll.u32 s28, $0x1;
	[dreg:$0x2] =	wrdreg s3  }
0x21: {  	[dreg:$0x3] =	wrdreg s5  }
0x22: {  	[dreg:$0x4] =	wrdreg $0xC0  }
0x23: {  	_ =	task [dreg:s7], $0x5FFFF  }
0x24: {  	[dreg:$0x1] =	wrdreg $0xFFFFFFFF  }
0x25: {  	[dreg:$0x0] =	wrdreg $0x60  }
0x26: {  	[dreg:$0x2] =	wrdreg s2  }
0x27: {  	[dreg:$0x3] =	wrdreg s25  }
0x28: {  	[dreg:$0x4] =	wrdreg $0x9  }
0x29: {  	_ =	task.clear_ibuf [dreg:s7], $0x5FFFF;
	_ =	strace $0x90000046  }
0x2a: {  	s29 =	simm.s32 $0x9;
	_ =	strace $0x80000048  }
0x2b: {  	_ =	swait.ge [sflag:s29], $0x1  }
0x2c: {  	[sflag:s29] =	ssyncadd.s32 $0xFFFFFFFF  }
0x2d: {  	_ =	strace $0x90000048  }
0x2e: {  	_ =	sfence  }
0x2f: {  	s30 =	sld [smem:$0x0];
	_ =	sdelay $0x2  }
0x30: {  	s31 =	sshll.u32 s1, $0xD;
	s1 =	sshrl.u32 s1, $0x2  }
0x31: {  	s3 =	sand.u32 $0x4000, s31;
	s1 =	sadd.s32 s1, s30  }
0x32: {  	s0 =	sor.u32 s3, s0;
	s1 =	sshll.u32 s1, $0x11  }
0x33: {  	s0 =	sor.u32 s1, s0  }
0x34: {  	s0 =	sadd.s32 $0x8F2B, s0  }
0x35: {  	[sflag:s0] =	ssyncadd.remote.s32 $0x1  }
0x36: {  	_ =	sfence.sel $0xFFFF  }
0x37: {  	[dreg:$0x0] =	wrdreg $0xFFFFFFFF;
	(pc) =	sbr.abs _section_cstart, $3  }
0x38: {  	[dreg:$0x1] =	wrdreg $0xFFFFFFFF  }
0x39: {  	_ =	task.clear_ibuf [dreg:s7], $0x2FFFF;
	_ =	strace $0x9FFFFFFF  }
0x3a: {  	(tm) =	ssettm $0x7FFFFFFF  }
0x3b: {  	_ =	shalt  }
tec
execute0_lowered:
.L_overlay_start_1:
0x0: {  	(tag) =	ssettag $0x1  }
0x1: {  	s2 =	rddreg [dreg:$0x0]  }
0x2: {  	s1 =	rddreg [dreg:$0x1]  }
0x3: {  	s0 =	rddreg [dreg:$0x2];
	_ =	strace $0x80000047;
	s4 =	srdreg.scid  }
0x4: {  	s6 =	simm.s32 $0x2;
	s11 =	simm.s32 $0x0;
	p0 =	por $0x0, $0x0  }
.Ltmp0:
0x5: {  	s7 =	simm.s32 $0x1000;
	s12 =	simm.s32 $0x0;
	(pc) =	sbr.rel .LBB1_1-.Ltmp0, $4  }
0x6: {  	s9 =	simm.s32 $0x0;
	s3 =	sadd.s32 $0x1000, s1;
	s5 =	sshll.u32 s4, $0x4  }
0x7: {  	s1 =	stileid.u32;
	s4 =	simm.s32 $0x1;
	s5 =	sand.u32 $0x10, s5  }
0x8: {  	s8 =	simm.s32 $0x0;
	[sflag:s4] =	ssyncpa.u1 $0x0;
	s5 =	sor.u32 s1, s5  }
0x9: {  	[sflag:s6] =	ssyncpa.u1 $0x0;
	s6 =	simm.s32 $0x800;
	s10 =	smov.u32 s5  }
.LBB1_7:
0xa: {  	s13 =	sadd.s32 $0x10, s9  }
0xb: {  	s11 =	sadd.s32 $0x20, s10;
	s15 =	smov.u32 s10;
	p2 =	sgt.s32 s13, $0x1F  }
0xc: {  	p1 =	slt.u32 s8, $0x2;
	s15 =	smov.u32 @p2 s11  }
0xd: {  	s8 =	sadd.s32 $0x1, s8;
	s13 =	simm.s32 @p2 $0x0;
	p2 =	sgt.s32 s15, $0x1FF  }
0xe: {  	s15 =	smov.u32 @p2 s5;
	p2 =	sne.s32 s8, $0x22  }
.Ltmp1:
0xf: {  	_ = 	snop;
	(pc) =	sbr.rel @!p2 .LBB1_8-.Ltmp1, $4  }
0x10: {  	s14 =	simm.s32 @!p1 $0x2  }
0x11: {  	s12 =	smov.u32 s10;
	_ =	swait.ge @!p1 [sflag:s14], $0x4000  }
0x12: {  	p0 =	por !p0, !p0;
	s11 =	smov.u32 s9;
	[sflag:s14] =	ssyncset.done @!p1 $0x0  }
0x13: {  	s9 =	smov.u32 s13;
	[sflag:s14] =	ssyncadd.s32 @!p1 $0xFFFFC000;
	s10 =	smov.u32 s15  }
.LBB1_1:
0x14: {  	p1 =	sgt.u32 s8, $0x1F  }
0x15: {  	s13 =	sxor.u32 @!p1 $0xFFFFFFFF, s8;
	s14 =	sshll.u32 @!p1 s10, $0xC  }
0x16: {  	s15 =	sshll.u32 @!p1 s9, $0x7;
	s13 =	sshll.u32 @!p1 s13, $0xE;
	s14 =	sadd.s32 @!p1 s2, s14  }
0x17: {  	s13 =	sand.u32 @!p1 $0x4000, s13;
	s14 =	sadd.s32 @!p1 s15, s14;
	s15 =	simm.s32 @!p1 $0x0  }
0x18: {  	[tilespmem:s13], [sflag:$0x1] =	stream.linear.gather @!p1 [hbm4b:s14+s15], $0x4000, $0x38;
	[tilespmem:$0x10000] =	vst v63  }
0x19: {  	p1 =	seq.s32 s8, $0x0  }
0x1a: {  	p2 =	seq.s32 @!p1 s8, $0x21  }
0x1b: {  	p1 =	por p1, p2  }
.Ltmp2:
0x1c: {  	_ = 	snop;
	(pc) =	sbr.rel @p1 .LBB1_7-.Ltmp2, $1  }
0x1d: {  	_ =	sdelay $0x3  }
0x1e: {  	s13 =	simm.s32 $0x1;
	_ =	swait.ge [sflag:s4], $0x4000;
	s16 =	sshll.u32 s8, $0xE  }
0x1f: {  	s13 =	simm.s32 @!p0 $0x0;
	[sflag:s4] =	ssyncset.done $0x0;
	s31 =	sand.u32 $0x4000, s16  }
0x20: {  	s16 =	simm.s32 $0x0;
	s14 =	sshll.u32 s13, $0xE;
	[sflag:s4] =	ssyncadd.s32 $0xFFFFC000  }
0x21: {  	s13 =	sor.u32 $0x8040, s14;
	s15 =	sor.u32 $0x40, s14;
	s14 =	sor.u32 $0x8000, s31  }
.LBB1_3:
0x22: {  	v0 =	vmov s15;
	_ =	sdelay $0x3  }
0x23: {  	s18 =	simm.s32 $0x0  }
0x24: {  	v6 =	vld.idx.msk [tilespmem:v0+s18+$0x30 ss:$0x1], $0xffff  }
0x25: {  	v7 =	vld.idx.msk [tilespmem:v0+s18+$0xFFFFFFC0 ss:$0x1], $0xffff  }
0x26: {  	v5 =	vld.idx.msk [tilespmem:v0+s18+$0xFFFFFFD0 ss:$0x1], $0xffff  }
0x27: {  	v4 =	vld.idx.msk [tilespmem:v0+s18+$0xFFFFFFE0 ss:$0x1], $0xffff  }
0x28: {  	v3 =	vld.idx.msk [tilespmem:v0+s18+$0xFFFFFFF0 ss:$0x1], $0xffff  }
0x29: {  	v1 =	vld.idx.msk [tilespmem:v0+s18+$0x0 ss:$0x1], $0xffff  }
0x2a: {  	v2 =	vld.idx.msk [tilespmem:v0+s18+$0x10 ss:$0x1], $0xffff;
	[tilespmem:s13+$0x30] =	vst v6  }
0x2b: {  	s17 =	simm.s32 $0x80;
	s19 =	simm.s32 $0x400;
	[tilespmem:s13+$0xFFFFFFC0] =	vst v7;
	v6 =	vld.idx.msk [tilespmem:v0+s18+$0x20 ss:$0x1], $0xffff;
	s18 =	smov.u32 s13  }
.LBB1_4:
0x2c: {  	p1 =	sne.s32 s19, $0xE00;
	v7 =	vld.idx.msk [tilespmem:v0+s17+$0x30 ss:$0x1], $0xffff;
	[tilespmem:s18+$0xFFFFFFD0] =	vst v5  }
0x2d: {  	v8 =	vld.idx.msk [tilespmem:v0+s17+$0xFFFFFFC0 ss:$0x1], $0xffff;
	[tilespmem:s18+$0xFFFFFFE0] =	vst v4  }
0x2e: {  	v5 =	vld.idx.msk [tilespmem:v0+s17+$0xFFFFFFD0 ss:$0x1], $0xffff;
	[tilespmem:s18+$0xFFFFFFF0] =	vst v3  }
.Ltmp3:
0x2f: {  	v4 =	vld.idx.msk [tilespmem:v0+s17+$0xFFFFFFE0 ss:$0x1], $0xffff;
	[tilespmem:s18+$0x0] =	vst v1;
	(pc) =	sbr.rel @p1 .LBB1_4-.Ltmp3, $4  }
0x30: {  	v3 =	vld.idx.msk [tilespmem:v0+s17+$0xFFFFFFF0 ss:$0x1], $0xffff;
	[tilespmem:s18+$0x10] =	vst v2  }
0x31: {  	v1 =	vld.idx.msk [tilespmem:v0+s17+$0x0 ss:$0x1], $0xffff;
	[tilespmem:s18+$0x20] =	vst v6;
	s18 =	sadd.s32 $0x800, s18  }
0x32: {  	v2 =	vld.idx.msk [tilespmem:v0+s17+$0x10 ss:$0x1], $0xffff;
	[tilespmem:s18+$0x30] =	vst v7  }
0x33: {  	[tilespmem:s18+$0xFFFFFFC0] =	vst v8;
	v6 =	vld.idx.msk [tilespmem:v0+s17+$0x20 ss:$0x1], $0xffff;
	s17 =	sshra.s32 s19, $0x2;
	s19 =	sadd.s32 $0x200, s19  }
0x34: {  	_ =	sdelay $0x2  }
0x35: {  	[tilespmem:s18+$0xFFFFFFD0] =	vst v5  }
0x36: {  	v56 =	vld.idx.msk [tilespmem:v0+s17+$0x30 ss:$0x1], $0xffff;
	[tilespmem:s18+$0xFFFFFFE0] =	vst v4  }
0x37: {  	v57 =	vld.idx.msk [tilespmem:v0+s17+$0xFFFFFFC0 ss:$0x1], $0xffff;
	[tilespmem:s18+$0xFFFFFFF0] =	vst v3  }
0x38: {  	v58 =	vld.idx.msk [tilespmem:v0+s17+$0xFFFFFFD0 ss:$0x1], $0xffff;
	[tilespmem:s18+$0x0] =	vst v1  }
0x39: {  	v59 =	vld.idx.msk [tilespmem:v0+s17+$0xFFFFFFE0 ss:$0x1], $0xffff;
	[tilespmem:s18+$0x10] =	vst v2  }
0x3a: {  	v60 =	vld.idx.msk [tilespmem:v0+s17+$0xFFFFFFF0 ss:$0x1], $0xffff;
	s31 =	sadd.s32 $0x800, s18;
	[tilespmem:s18+$0x20] =	vst v6  }
0x3b: {  	v61 =	vld.idx.msk [tilespmem:v0+s17+$0x0 ss:$0x1], $0xffff;
	[tilespmem:s31+$0x30] =	vst v56  }
0x3c: {  	v62 =	vld.idx.msk [tilespmem:v0+s17+$0x10 ss:$0x1], $0xffff;
	s16 =	sadd.s32 $0x1, s16;
	[tilespmem:s31+$0xFFFFFFC0] =	vst v57  }
0x3d: {  	v63 =	vld.idx.msk [tilespmem:v0+s17+$0x20 ss:$0x1], $0xffff;
	p1 =	sne.s32 s16, $0x10;
	[tilespmem:s31+$0xFFFFFFD0] =	vst v58  }
.Ltmp4:
0x3e: {  	[tilespmem:s31+$0xFFFFFFE0] =	vst v59;
	(pc) =	sbr.rel @p1 .LBB1_3-.Ltmp4, $4  }
0x3f: {  	[tilespmem:s31+$0xFFFFFFF0] =	vst v60  }
0x40: {  	[tilespmem:s31+$0x0] =	vst v61  }
0x41: {  	[tilespmem:s31+$0x10] =	vst v62  }
0x42: {  	s13 =	sadd.s32 $0x80, s13;
	s15 =	sadd.s32 $0x400, s15;
	[tilespmem:s31+$0x20] =	vst v63  }
.Ltmp5:
0x43: {  	(pc) =	sbr.rel .LBB1_7-.Ltmp5, $4  }
0x44: {  	s12 =	sshll.u32 s12, $0xC;
	s11 =	sshll.u32 s11, $0x4  }
0x45: {  	s11 =	sand.u32 $0x1F0, s11;
	s12 =	sadd.s32 s3, s12  }
0x46: {  	s11 =	sadd.s32 s11, s12  }
0x47: {  	[hbm4b:s11+s6] =	stream.strided.scatter [tilespmem:s14], [sflag:$0x2], $0x4000, s7, s6, $0x38;
	[tilespmem:$0x10000] =	vst v63  }
.LBB1_8:
0x48: {  	_ =	sfence.sel $0x180000  }
0x49: {  	s2 =	simm.s32 $0x1;
	[bflag:$0x0] =	sbarrier.arrive $0xFFFF  }
0x4a: {  	s31 =	simm.s32 $0x2;
	[sflag:s2] =	ssyncpa.u1 $0x1  }
0x4b: {  	[sflag:s31] =	ssyncpa.u1 $0x1  }
0x4c: {  	p0 =	sne.s32 s1, $0x0;
	_ =	strace $0x90000047  }
0x4d: {  	s0 =	sadd.s32 @!p0 $0x100000, s0;
	[bflag:$0x2] =	sbarrier.arrive $0xFFFF  }
0x4e: {  	[sflag:s0] =	ssyncadd.tile.s32 @!p0 $0x1;
	_ =	shalt  }
.Lfunc_end1:
_tile_overlayer_lowered:
.L_overlay_start_2:
0x4f: {  	(tag) =	ssettag $0x2  }
0x50: {  	s0 =	rddreg [dreg:$0x0];
	s2 =	stileid.u32  }
0x51: {  	s1 =	rddreg [dreg:$0x1];
	p0 =	sne.s32 s2, $0x0  }
0x52: {  	s3 =	rddreg [dreg:$0x2];
	[bflag:$0x3] =	sbarrier.arrive $0xFFFF;
	s2 =	simm.s32 @!p0 $0x1C01  }
0x53: {  	[timem:s3], [sflag:s2] =	dma.local @!p0 [hbm:s0], s1  }
0x54: {  	s0 =	simm.s32 @!p0 $0x1  }
0x55: {  	_ =	swait.ge @!p0 [sflag:s0], s1  }
0x56: {  	s1 =	ssub.s32 @!p0 $0x0, s1;
	[sflag:s0] =	ssyncset.done @!p0 $0x0  }
0x57: {  	[sflag:s0] =	ssyncadd.s32 @!p0 s1  }
0x58: {  	[bflag:$0x3] =	sbarrier.arrive $0xFFFF  }
0x59: {  	_ =	shalt  }

</sc_bundles>
